<compile_context>
chip_gen: v7x
topology: tpu7x:2x2x1
jax: 0.10.2.dev20260603
libtpu: 0.0.44.dev20260713+nightly
codegen_flags: <defaults>
</compile_context>

<pallas_src>
import functools

import jax
import jax.numpy as jnp
from jax import lax
from jax.experimental import pallas as pl
from jax.experimental.pallas import tpu as pltpu
from jax.experimental.pallas import tpu_sc as plsc

NC = 2
NS = 16
NW = NC * NS
CHUNK = 128
BLK = 256


def _make_agg(n_pad, d, cpw, with_deg):
    mesh = plsc.VectorSubcoreMesh(core_axis_name="c", subcore_axis_name="s")
    rpt = n_pad // NS

    out_type = [jax.ShapeDtypeStruct((NC * n_pad, d), jnp.float32)]
    scratch = [
        pltpu.VMEM((CHUNK,), jnp.int32),
        pltpu.VMEM((CHUNK,), jnp.int32),
        pltpu.VMEM((CHUNK, d), jnp.float32),
        pltpu.VMEM_SHARED((n_pad, d), jnp.float32),
        pltpu.SemaphoreType.DMA,
    ]
    if with_deg:
        out_type.append(jax.ShapeDtypeStruct((NW * n_pad,), jnp.float32))
        scratch.append(pltpu.VMEM((n_pad,), jnp.float32))

    @functools.partial(
        pl.kernel, out_type=tuple(out_type), mesh=mesh,
        scratch_types=tuple(scratch),
        compiler_params=pltpu.CompilerParams(needs_layout_passes=False))
    def agg_kernel(feat_hbm, src_hbm, dst_hbm, z2_hbm, z1_hbm, *rest):
        if with_deg:
            agg_out, deg_out, src_v, dst_v, rows_v, agg_sh, sg, deg_v = rest
        else:
            agg_out, src_v, dst_v, rows_v, agg_sh, sg = rest
        cid = lax.axis_index("c")
        sid = lax.axis_index("s")
        wid = cid * NS + sid
        ebase = wid * cpw * CHUNK

        srpt = pl.multiple_of(sid * rpt, 8)
        pltpu.sync_copy(z2_hbm.at[pl.ds(srpt, rpt)],
                        agg_sh.at[pl.ds(srpt, rpt)])
        if with_deg:
            pltpu.sync_copy(z1_hbm, deg_v)
        plsc.subcore_barrier()

        def step(c):
            off = ebase + c * CHUNK
            pltpu.sync_copy(src_hbm.at[pl.ds(off, CHUNK)], src_v)
            pltpu.sync_copy(dst_hbm.at[pl.ds(off, CHUNK)], dst_v)
            pltpu.async_copy(feat_hbm.at[src_v], rows_v, sg).wait()
            pltpu.sync_copy(rows_v, agg_sh.at[dst_v], add=True)
            if with_deg:
                for i in range(CHUNK // 16):
                    dv = dst_v[pl.ds(i * 16, 16)]
                    cnt, last = plsc.scan_count(dv)
                    plsc.addupdate_scatter(
                        deg_v, [dv], cnt.astype(jnp.float32), mask=last)

        pl.loop(0, cpw)(step)

        plsc.subcore_barrier()
        obase = pl.multiple_of(cid * n_pad + sid * rpt, 8)
        pltpu.sync_copy(agg_sh.at[pl.ds(srpt, rpt)],
                        agg_out.at[pl.ds(obase, rpt)])
        if with_deg:
            pltpu.sync_copy(deg_v, deg_out.at[pl.ds(wid * n_pad, n_pad)])

    return agg_kernel


def _tc1_body(a_ref, dg_ref, x_ref, w1l_ref, b1l_ref, w1r_ref,
              w2lr_ref, pq_ref):
    agg = a_ref[0] + a_ref[1]
    deg = jnp.maximum(jnp.sum(dg_ref[...], axis=0), 1.0)
    mean = agg / deg[:, None]
    h = (jnp.dot(mean, w1l_ref[...], preferred_element_type=jnp.float32)
         + b1l_ref[...]
         + jnp.dot(x_ref[...], w1r_ref[...], preferred_element_type=jnp.float32))
    h = jnp.maximum(h, 0.0)
    pq_ref[...] = jnp.dot(h, w2lr_ref[...], preferred_element_type=jnp.float32)


def _tc2_body(a_ref, dg_ref, b2l_ref, pq_ref, o_ref):
    d_out = o_ref.shape[-1]
    agg = (a_ref[0] + a_ref[1])[:, :d_out]
    deg = jnp.maximum(jnp.sum(dg_ref[...], axis=0), 1.0)
    q2 = pq_ref[:, d_out:]
    val = agg / deg[:, None] + b2l_ref[...] + q2
    m = jnp.max(val, axis=1, keepdims=True)
    ex = jnp.exp(val - m)
    s = jnp.sum(ex, axis=1, keepdims=True)
    o_ref[...] = val - m - jnp.log(s)


def kernel(x, edge_index, W1l, b1l, W1r, W2l, b2l, W2r):
    n, d_in = x.shape
    d_h = W1l.shape[1]
    d_out = W2l.shape[1]
    e = edge_index.shape[1]

    n_pad = -(-n // BLK) * BLK
    e_pad = -(-e // (NW * CHUNK)) * (NW * CHUNK)
    cpw = e_pad // (NW * CHUNK)

    src = edge_index[0]
    dst = edge_index[1]
    src_p = jnp.concatenate([src, jnp.zeros((e_pad - e,), jnp.int32)])
    dst_p = jnp.concatenate([dst, jnp.full((e_pad - e,), n, jnp.int32)])
    x_p = jnp.pad(x, ((0, n_pad - n), (0, 0)))
    d_pq = 2 * d_out
    w2lr = jnp.concatenate([W2l, W2r], axis=1)
    z2a = jnp.zeros((n_pad, d_in), jnp.float32)
    z2b = jnp.zeros((n_pad, d_pq), jnp.float32)
    z1 = jnp.zeros((n_pad,), jnp.float32)

    agg1_flat, deg_flat = _make_agg(n_pad, d_in, cpw, True)(
        x_p, src_p, dst_p, z2a, z1)
    agg1 = agg1_flat.reshape(NC, n_pad, d_in)
    deg = deg_flat.reshape(NW, n_pad)

    grid = (n_pad // BLK,)
    pq = pl.pallas_call(
        _tc1_body,
        grid=grid,
        in_specs=[
            pl.BlockSpec((NC, BLK, d_in), lambda i: (0, i, 0)),
            pl.BlockSpec((NW, BLK), lambda i: (0, i)),
            pl.BlockSpec((BLK, d_in), lambda i: (i, 0)),
            pl.BlockSpec((d_in, d_h), lambda i: (0, 0)),
            pl.BlockSpec((1, d_h), lambda i: (0, 0)),
            pl.BlockSpec((d_in, d_h), lambda i: (0, 0)),
            pl.BlockSpec((d_h, d_pq), lambda i: (0, 0)),
        ],
        out_specs=pl.BlockSpec((BLK, d_pq), lambda i: (i, 0)),
        out_shape=jax.ShapeDtypeStruct((n_pad, d_pq), jnp.float32),
    )(agg1, deg, x_p, W1l, b1l.reshape(1, d_h), W1r, w2lr)

    agg2_flat, = _make_agg(n_pad, d_pq, cpw, False)(
        pq, src_p, dst_p, z2b, z1)
    agg2 = agg2_flat.reshape(NC, n_pad, d_pq)

    out_pad = pl.pallas_call(
        _tc2_body,
        grid=grid,
        in_specs=[
            pl.BlockSpec((NC, BLK, d_pq), lambda i: (0, i, 0)),
            pl.BlockSpec((NW, BLK), lambda i: (0, i)),
            pl.BlockSpec((1, d_out), lambda i: (0, 0)),
            pl.BlockSpec((BLK, d_pq), lambda i: (i, 0)),
        ],
        out_specs=pl.BlockSpec((BLK, d_out), lambda i: (i, 0)),
        out_shape=jax.ShapeDtypeStruct((n_pad, d_out), jnp.float32),
    )(agg2, deg, b2l.reshape(1, d_out), pq)

    return out_pad[:n]

# --- scband reference (transcript-rebuilt; emitter-appended) ---
"""Pipeline reference for scband-graph-sage-10591389352276 (READ-ONLY COPY).

The authoritative reference and input builder live on the scoring server;
editing this copy changes nothing except your own understanding.
"""

import jax, jax.numpy as jnp
import numpy as np

N = 10000
E = 320000
D_IN = 128
D_H = 256
D_OUT = 64


def setup_inputs(seed: int = 0) -> dict:
    key = jax.random.key(seed)
    ks = jax.random.split(key, 8)
    x = jax.random.normal(ks[0], (N, D_IN), dtype=jnp.float32)
    edge_index = jax.random.randint(ks[1], (2, E), 0, N, dtype=jnp.int32)
    # SAGEConv layer 1: in=D_IN, out=D_H (lin_l has bias, lin_r bias=False per PyG)
    W1l = jax.random.normal(ks[2], (D_IN, D_H), dtype=jnp.float32) * (1.0 / np.sqrt(D_IN))
    b1l = jnp.zeros((D_H,), dtype=jnp.float32)
    W1r = jax.random.normal(ks[3], (D_IN, D_H), dtype=jnp.float32) * (1.0 / np.sqrt(D_IN))
    # SAGEConv layer 2: in=D_H, out=D_OUT
    W2l = jax.random.normal(ks[4], (D_H, D_OUT), dtype=jnp.float32) * (1.0 / np.sqrt(D_H))
    b2l = jnp.zeros((D_OUT,), dtype=jnp.float32)
    W2r = jax.random.normal(ks[5], (D_H, D_OUT), dtype=jnp.float32) * (1.0 / np.sqrt(D_H))
    return {"x": x, "edge_index": edge_index, "W1l": W1l, "b1l": b1l, "W1r": W1r,
            "W2l": W2l, "b2l": b2l, "W2r": W2r}


def _sage_conv(h, src, dst, Wl, bl, Wr, n_nodes):
    # mean aggregation of neighbor (source) features at destination nodes
    ones = jnp.ones((src.shape[0],), dtype=h.dtype)
    deg = jax.ops.segment_sum(ones, dst, num_segments=n_nodes)
    agg = jax.ops.segment_sum(h[src], dst, num_segments=n_nodes)
    mean = agg / jnp.clip(deg, 1.0, None)[:, None]
    # out = lin_l(mean_agg) + lin_r(x_root)  (root_weight=True, project=False, normalize=False)
    return mean @ Wl + bl + h @ Wr


def reference(x, edge_index, W1l, b1l, W1r, W2l, b2l, W2r):
    src = edge_index[0]
    dst = edge_index[1]
    # fcnn_before=False, fcnn_after=False; dropout is a no-op in eval mode
    h = _sage_conv(x, src, dst, W1l, b1l, W1r, N)
    h = jax.nn.relu(h)
    h = _sage_conv(h, src, dst, W2l, b2l, W2r, N)
    return jax.nn.log_softmax(h, axis=1)

if __name__ == "__main__":
    import jax
    _d = setup_inputs()
    print(jax.jit(kernel)(*tuple(_d.values())))

</pallas_src>

<mosaic_0001>
#map = affine_map<(d0, d1) -> (0, 0)>
#map1 = affine_map<(d0, d1) -> (0)>
module attributes {stable_mosaic.version = 14 : i64} {
  func.func @agg_kernel(%arg0: i32, %arg1: i32, %arg2: memref<10240x128xf32, #tpu.memory_space<hbm>>, %arg3: memref<323584xi32, #tpu.memory_space<hbm>>, %arg4: memref<323584xi32, #tpu.memory_space<hbm>>, %arg5: memref<10240x128xf32, #tpu.memory_space<hbm>>, %arg6: memref<10240xf32, #tpu.memory_space<hbm>>, %arg7: memref<20480x128xf32, #tpu.memory_space<hbm>>, %arg8: memref<327680xf32, #tpu.memory_space<hbm>>, %arg9: memref<128xi32, #tpu.memory_space<vmem>>, %arg10: memref<128xi32, #tpu.memory_space<vmem>>, %arg11: memref<128x128xf32, #tpu.memory_space<vmem>>, %arg12: memref<10240x128xf32, #tpu.memory_space<vmem_shared>>, %arg13: memref<!tpu.dma_semaphore, #tpu.memory_space<semaphore_mem>>, %arg14: memref<10240xf32, #tpu.memory_space<vmem>>) attributes {dimension_semantics = [#tpu.dimension_semantics<core_parallel>, #tpu.dimension_semantics<subcore_parallel>], iteration_bounds = array<i64: 2, 16>, scalar_prefetch = 0 : i64, scratch_operands = 6 : i64, tpu.core_type = #tpu.core_type<sc_vector_subcore>, window_params = [{transform_indices = #map}, {transform_indices = #map1}, {transform_indices = #map1}, {transform_indices = #map}, {transform_indices = #map1}, {transform_indices = #map}, {transform_indices = #map1}]} {
    %mul3A = arith.constant 16 : i32
    %mul3A_0 = arith.muli %arg0, %mul3A : i32
    %add3A = arith.addi %mul3A_0, %arg1 : i32
    %mul3A_1 = arith.constant 79 : i32
    %mul3A_2 = arith.muli %add3A, %mul3A_1 : i32
    %mul3A_3 = arith.constant 128 : i32
    %mul3A_4 = arith.muli %mul3A_2, %mul3A_3 : i32
    %mul3A_5 = arith.constant 640 : i32
    %mul3A_6 = arith.muli %arg1, %mul3A_5 : i32
    %multiple_of3A = tpu.assume_multiple %mul3A_6, 8 : i32
    "tpu.region"() ({
      %run_scoped3A = tpu.sem_alloc : memref<!tpu.dma_semaphore, #tpu.memory_space<semaphore_mem>>
      %dma_start3A = arith.constant 0 : i32
      %dma_start3A_20 = tpu.memref_slice %arg12[%multiple_of3A, %dma_start3A] : memref<10240x128xf32, #tpu.memory_space<vmem_shared>> -> memref<640x128xf32, #tpu.memory_space<vmem_shared>>
      %dma_start3A_21 = arith.constant 0 : i32
      %dma_start3A_22 = tpu.memref_slice %arg5[%multiple_of3A, %dma_start3A_21] : memref<10240x128xf32, #tpu.memory_space<hbm>> -> memref<640x128xf32, #tpu.memory_space<hbm>>
      tpu.enqueue_dma source(%dma_start3A_22 : memref<640x128xf32, #tpu.memory_space<hbm>>) target(%dma_start3A_20 : memref<640x128xf32, #tpu.memory_space<vmem_shared>>) target_semaphore(%run_scoped3A : memref<!tpu.dma_semaphore, #tpu.memory_space<semaphore_mem>>)
      %dma_wait3A = arith.constant 0 : i32
      %dma_wait3A_23 = tpu.memref_slice %arg12[%multiple_of3A, %dma_wait3A] : memref<10240x128xf32, #tpu.memory_space<vmem_shared>> -> memref<640x128xf32, #tpu.memory_space<vmem_shared>>
      %dma_wait3A_24 = arith.constant 0 : i32
      %dma_wait3A_25 = tpu.memref_slice %arg5[%multiple_of3A, %dma_wait3A_24] : memref<10240x128xf32, #tpu.memory_space<hbm>> -> memref<640x128xf32, #tpu.memory_space<hbm>>
      tpu.wait_dma2 semaphore(%run_scoped3A : memref<!tpu.dma_semaphore, #tpu.memory_space<semaphore_mem>>) src(%dma_wait3A_25 : memref<640x128xf32, #tpu.memory_space<hbm>>) dst(%dma_wait3A_23 : memref<640x128xf32, #tpu.memory_space<vmem_shared>>)
      tpu.yield
    }) : () -> ()
    "tpu.region"() ({
      %run_scoped3A = tpu.sem_alloc : memref<!tpu.dma_semaphore, #tpu.memory_space<semaphore_mem>>
      tpu.enqueue_dma source(%arg6 : memref<10240xf32, #tpu.memory_space<hbm>>) target(%arg14 : memref<10240xf32, #tpu.memory_space<vmem>>) target_semaphore(%run_scoped3A : memref<!tpu.dma_semaphore, #tpu.memory_space<semaphore_mem>>)
      tpu.wait_dma2 semaphore(%run_scoped3A : memref<!tpu.dma_semaphore, #tpu.memory_space<semaphore_mem>>) src(%arg6 : memref<10240xf32, #tpu.memory_space<hbm>>) dst(%arg14 : memref<10240xf32, #tpu.memory_space<vmem>>)
      tpu.yield
    }) : () -> ()
    %barrier3A = arith.constant 0 : index
    tpu.barrier barrier_id(%barrier3A)
    %scan3A = arith.constant 0 : i32
    %scan3A_7 = arith.constant 79 : i32
    %scan3A_8 = arith.addi %scan3A, %scan3A_7 : i32
    %scan3A_9 = arith.constant 1 : i32
    scf.for %scan3A_20 = %scan3A to %scan3A_8 step %scan3A_9  : i32 {
      %mul3A_21 = arith.constant 1 : i32
      %mul3A_22 = arith.muli %scan3A_20, %mul3A_21 : i32
      %add3A_23 = arith.constant 0 : i32
      %add3A_24 = arith.addi %add3A_23, %mul3A_22 : i32
      %mul3A_25 = arith.constant 128 : i32
      %mul3A_26 = arith.muli %add3A_24, %mul3A_25 : i32
      %add3A_27 = arith.addi %mul3A_4, %mul3A_26 : i32
      "tpu.region"() ({
        %run_scoped3A = tpu.sem_alloc : memref<!tpu.dma_semaphore, #tpu.memory_space<semaphore_mem>>
        %dma_start3A_84 = tpu.memref_slice %arg3[%add3A_27] : memref<323584xi32, #tpu.memory_space<hbm>> -> memref<128xi32, #tpu.memory_space<hbm>>
        %dma_start3A_85 = tpu.memref_slice %arg3[%add3A_27] : memref<323584xi32, #tpu.memory_space<hbm>> -> memref<128xi32, #tpu.memory_space<hbm>>
        tpu.enqueue_dma source(%dma_start3A_85 : memref<128xi32, #tpu.memory_space<hbm>>) target(%arg9 : memref<128xi32, #tpu.memory_space<vmem>>) target_semaphore(%run_scoped3A : memref<!tpu.dma_semaphore, #tpu.memory_space<semaphore_mem>>)
        %dma_wait3A_86 = tpu.memref_slice %arg3[%add3A_27] : memref<323584xi32, #tpu.memory_space<hbm>> -> memref<128xi32, #tpu.memory_space<hbm>>
        %dma_wait3A_87 = tpu.memref_slice %arg3[%add3A_27] : memref<323584xi32, #tpu.memory_space<hbm>> -> memref<128xi32, #tpu.memory_space<hbm>>
        tpu.wait_dma2 semaphore(%run_scoped3A : memref<!tpu.dma_semaphore, #tpu.memory_space<semaphore_mem>>) src(%dma_wait3A_87 : memref<128xi32, #tpu.memory_space<hbm>>) dst(%arg9 : memref<128xi32, #tpu.memory_space<vmem>>)
        tpu.yield
      }) : () -> ()
      "tpu.region"() ({
        %run_scoped3A = tpu.sem_alloc : memref<!tpu.dma_semaphore, #tpu.memory_space<semaphore_mem>>
        %dma_start3A_84 = tpu.memref_slice %arg4[%add3A_27] : memref<323584xi32, #tpu.memory_space<hbm>> -> memref<128xi32, #tpu.memory_space<hbm>>
        %dma_start3A_85 = tpu.memref_slice %arg4[%add3A_27] : memref<323584xi32, #tpu.memory_space<hbm>> -> memref<128xi32, #tpu.memory_space<hbm>>
        tpu.enqueue_dma source(%dma_start3A_85 : memref<128xi32, #tpu.memory_space<hbm>>) target(%arg10 : memref<128xi32, #tpu.memory_space<vmem>>) target_semaphore(%run_scoped3A : memref<!tpu.dma_semaphore, #tpu.memory_space<semaphore_mem>>)
        %dma_wait3A_86 = tpu.memref_slice %arg4[%add3A_27] : memref<323584xi32, #tpu.memory_space<hbm>> -> memref<128xi32, #tpu.memory_space<hbm>>
        %dma_wait3A_87 = tpu.memref_slice %arg4[%add3A_27] : memref<323584xi32, #tpu.memory_space<hbm>> -> memref<128xi32, #tpu.memory_space<hbm>>
        tpu.wait_dma2 semaphore(%run_scoped3A : memref<!tpu.dma_semaphore, #tpu.memory_space<semaphore_mem>>) src(%dma_wait3A_87 : memref<128xi32, #tpu.memory_space<hbm>>) dst(%arg10 : memref<128xi32, #tpu.memory_space<vmem>>)
        tpu.yield
      }) : () -> ()
      %dma_start3A = arith.constant 0 : i32
      %dma_start3A_28 = arith.constant 0 : i32
      %dma_start3A_29 = tpu.memref_slice %arg2[%dma_start3A, %dma_start3A_28] : memref<10240x128xf32, #tpu.memory_space<hbm>> -> memref<10240x128xf32, #tpu.memory_space<hbm>>
      tpu.enqueue_indirect_dma source(%dma_start3A_29 : memref<10240x128xf32, #tpu.memory_space<hbm>>) target(%arg11 : memref<128x128xf32, #tpu.memory_space<vmem>>) offsets(%arg9 : memref<128xi32, #tpu.memory_space<vmem>>) semaphore(%arg13 : memref<!tpu.dma_semaphore, #tpu.memory_space<semaphore_mem>>)
      %dma_wait3A = arith.constant 0 : i32
      %dma_wait3A_30 = arith.constant 0 : i32
      %dma_wait3A_31 = tpu.memref_slice %arg2[%dma_wait3A, %dma_wait3A_30] : memref<10240x128xf32, #tpu.memory_space<hbm>> -> memref<10240x128xf32, #tpu.memory_space<hbm>>
      tpu.wait_indirect_dma semaphore(%arg13 : memref<!tpu.dma_semaphore, #tpu.memory_space<semaphore_mem>>) src(%dma_wait3A_31 : memref<10240x128xf32, #tpu.memory_space<hbm>>) dst(%arg11 : memref<128x128xf32, #tpu.memory_space<vmem>>)
      "tpu.region"() ({
        %run_scoped3A = tpu.sem_alloc : memref<!tpu.dma_semaphore, #tpu.memory_space<semaphore_mem>>
        %dma_start3A_84 = arith.constant 0 : i32
        %dma_start3A_85 = arith.constant 0 : i32
        %dma_start3A_86 = tpu.memref_slice %arg12[%dma_start3A_84, %dma_start3A_85] : memref<10240x128xf32, #tpu.memory_space<vmem_shared>> -> memref<10240x128xf32, #tpu.memory_space<vmem_shared>>
        tpu.enqueue_indirect_dma source(%arg11 : memref<128x128xf32, #tpu.memory_space<vmem>>) target(%dma_start3A_86 : memref<10240x128xf32, #tpu.memory_space<vmem_shared>>) offsets(%arg10 : memref<128xi32, #tpu.memory_space<vmem>>) semaphore(%run_scoped3A : memref<!tpu.dma_semaphore, #tpu.memory_space<semaphore_mem>>) {add = true}
        %dma_wait3A_87 = arith.constant 0 : i32
        %dma_wait3A_88 = arith.constant 0 : i32
        %dma_wait3A_89 = tpu.memref_slice %arg12[%dma_wait3A_87, %dma_wait3A_88] : memref<10240x128xf32, #tpu.memory_space<vmem_shared>> -> memref<10240x128xf32, #tpu.memory_space<vmem_shared>>
        tpu.wait_indirect_dma semaphore(%run_scoped3A : memref<!tpu.dma_semaphore, #tpu.memory_space<semaphore_mem>>) src(%arg11 : memref<128x128xf32, #tpu.memory_space<vmem>>) dst(%dma_wait3A_89 : memref<10240x128xf32, #tpu.memory_space<vmem_shared>>)
        tpu.yield
      }) : () -> ()
      %get3A = arith.constant 0 : index
      %get3A_32 = tpu.vector_load %arg10[%get3A] {strides = array<i32>} : memref<128xi32, #tpu.memory_space<vmem>>, vector<16xi32>,
      %broadcast_in_dim3A = arith.constant true
      %broadcast_in_dim3A_33 = vector.broadcast %broadcast_in_dim3A : i1 to vector<16xi1>
      %unique3A, %unique3A_34 = tpu.scan_count mask(%broadcast_in_dim3A_33 : vector<16xi1>) value(%get3A_32 : vector<16xi32>) : vector<16xi1>, vector<16xi32>
      %convert_element_type3A = arith.sitofp %unique3A_34 : vector<16xi32> to vector<16xf32>
      tpu.vector_store_idx %arg14[%get3A_32], %convert_element_type3A masked %unique3A {add = true} : memref<10240xf32, #tpu.memory_space<vmem>>[vector<16xi32>], vector<16xf32>, vector<16xi1>
      %get3A_35 = arith.constant 16 : index
      %get3A_36 = tpu.vector_load %arg10[%get3A_35] {strides = array<i32>} : memref<128xi32, #tpu.memory_space<vmem>>, vector<16xi32>,
      %broadcast_in_dim3A_37 = arith.constant true
      %broadcast_in_dim3A_38 = vector.broadcast %broadcast_in_dim3A_37 : i1 to vector<16xi1>
      %unique3A_39, %unique3A_40 = tpu.scan_count mask(%broadcast_in_dim3A_38 : vector<16xi1>) value(%get3A_36 : vector<16xi32>) : vector<16xi1>, vector<16xi32>
      %convert_element_type3A_41 = arith.sitofp %unique3A_40 : vector<16xi32> to vector<16xf32>
      tpu.vector_store_idx %arg14[%get3A_36], %convert_element_type3A_41 masked %unique3A_39 {add = true} : memref<10240xf32, #tpu.memory_space<vmem>>[vector<16xi32>], vector<16xf32>, vector<16xi1>
      %get3A_42 = arith.constant 32 : index
      %get3A_43 = tpu.vector_load %arg10[%get3A_42] {strides = array<i32>} : memref<128xi32, #tpu.memory_space<vmem>>, vector<16xi32>,
      %broadcast_in_dim3A_44 = arith.constant true
      %broadcast_in_dim3A_45 = vector.broadcast %broadcast_in_dim3A_44 : i1 to vector<16xi1>
      %unique3A_46, %unique3A_47 = tpu.scan_count mask(%broadcast_in_dim3A_45 : vector<16xi1>) value(%get3A_43 : vector<16xi32>) : vector<16xi1>, vector<16xi32>
      %convert_element_type3A_48 = arith.sitofp %unique3A_47 : vector<16xi32> to vector<16xf32>
      tpu.vector_store_idx %arg14[%get3A_43], %convert_element_type3A_48 masked %unique3A_46 {add = true} : memref<10240xf32, #tpu.memory_space<vmem>>[vector<16xi32>], vector<16xf32>, vector<16xi1>
      %get3A_49 = arith.constant 48 : index
      %get3A_50 = tpu.vector_load %arg10[%get3A_49] {strides = array<i32>} : memref<128xi32, #tpu.memory_space<vmem>>, vector<16xi32>,
      %broadcast_in_dim3A_51 = arith.constant true
      %broadcast_in_dim3A_52 = vector.broadcast %broadcast_in_dim3A_51 : i1 to vector<16xi1>
      %unique3A_53, %unique3A_54 = tpu.scan_count mask(%broadcast_in_dim3A_52 : vector<16xi1>) value(%get3A_50 : vector<16xi32>) : vector<16xi1>, vector<16xi32>
      %convert_element_type3A_55 = arith.sitofp %unique3A_54 : vector<16xi32> to vector<16xf32>
      tpu.vector_store_idx %arg14[%get3A_50], %convert_element_type3A_55 masked %unique3A_53 {add = true} : memref<10240xf32, #tpu.memory_space<vmem>>[vector<16xi32>], vector<16xf32>, vector<16xi1>
      %get3A_56 = arith.constant 64 : index
      %get3A_57 = tpu.vector_load %arg10[%get3A_56] {strides = array<i32>} : memref<128xi32, #tpu.memory_space<vmem>>, vector<16xi32>,
      %broadcast_in_dim3A_58 = arith.constant true
      %broadcast_in_dim3A_59 = vector.broadcast %broadcast_in_dim3A_58 : i1 to vector<16xi1>
      %unique3A_60, %unique3A_61 = tpu.scan_count mask(%broadcast_in_dim3A_59 : vector<16xi1>) value(%get3A_57 : vector<16xi32>) : vector<16xi1>, vector<16xi32>
      %convert_element_type3A_62 = arith.sitofp %unique3A_61 : vector<16xi32> to vector<16xf32>
      tpu.vector_store_idx %arg14[%get3A_57], %convert_element_type3A_62 masked %unique3A_60 {add = true} : memref<10240xf32, #tpu.memory_space<vmem>>[vector<16xi32>], vector<16xf32>, vector<16xi1>
      %get3A_63 = arith.constant 80 : index
      %get3A_64 = tpu.vector_load %arg10[%get3A_63] {strides = array<i32>} : memref<128xi32, #tpu.memory_space<vmem>>, vector<16xi32>,
      %broadcast_in_dim3A_65 = arith.constant true
      %broadcast_in_dim3A_66 = vector.broadcast %broadcast_in_dim3A_65 : i1 to vector<16xi1>
      %unique3A_67, %unique3A_68 = tpu.scan_count mask(%broadcast_in_dim3A_66 : vector<16xi1>) value(%get3A_64 : vector<16xi32>) : vector<16xi1>, vector<16xi32>
      %convert_element_type3A_69 = arith.sitofp %unique3A_68 : vector<16xi32> to vector<16xf32>
      tpu.vector_store_idx %arg14[%get3A_64], %convert_element_type3A_69 masked %unique3A_67 {add = true} : memref<10240xf32, #tpu.memory_space<vmem>>[vector<16xi32>], vector<16xf32>, vector<16xi1>
      %get3A_70 = arith.constant 96 : index
      %get3A_71 = tpu.vector_load %arg10[%get3A_70] {strides = array<i32>} : memref<128xi32, #tpu.memory_space<vmem>>, vector<16xi32>,
      %broadcast_in_dim3A_72 = arith.constant true
      %broadcast_in_dim3A_73 = vector.broadcast %broadcast_in_dim3A_72 : i1 to vector<16xi1>
      %unique3A_74, %unique3A_75 = tpu.scan_count mask(%broadcast_in_dim3A_73 : vector<16xi1>) value(%get3A_71 : vector<16xi32>) : vector<16xi1>, vector<16xi32>
      %convert_element_type3A_76 = arith.sitofp %unique3A_75 : vector<16xi32> to vector<16xf32>
      tpu.vector_store_idx %arg14[%get3A_71], %convert_element_type3A_76 masked %unique3A_74 {add = true} : memref<10240xf32, #tpu.memory_space<vmem>>[vector<16xi32>], vector<16xf32>, vector<16xi1>
      %get3A_77 = arith.constant 112 : index
      %get3A_78 = tpu.vector_load %arg10[%get3A_77] {strides = array<i32>} : memref<128xi32, #tpu.memory_space<vmem>>, vector<16xi32>,
      %broadcast_in_dim3A_79 = arith.constant true
      %broadcast_in_dim3A_80 = vector.broadcast %broadcast_in_dim3A_79 : i1 to vector<16xi1>
      %unique3A_81, %unique3A_82 = tpu.scan_count mask(%broadcast_in_dim3A_80 : vector<16xi1>) value(%get3A_78 : vector<16xi32>) : vector<16xi1>, vector<16xi32>
      %convert_element_type3A_83 = arith.sitofp %unique3A_82 : vector<16xi32> to vector<16xf32>
      tpu.vector_store_idx %arg14[%get3A_78], %convert_element_type3A_83 masked %unique3A_81 {add = true} : memref<10240xf32, #tpu.memory_space<vmem>>[vector<16xi32>], vector<16xf32>, vector<16xi1>
    }
    %scan3A_10 = arith.constant 79 : i32
    %barrier3A_11 = arith.constant 0 : index
    tpu.barrier barrier_id(%barrier3A_11)
    %mul3A_12 = arith.constant 10240 : i32
    %mul3A_13 = arith.muli %arg0, %mul3A_12 : i32
    %mul3A_14 = arith.constant 640 : i32
    %mul3A_15 = arith.muli %arg1, %mul3A_14 : i32
    %add3A_16 = arith.addi %mul3A_13, %mul3A_15 : i32
    %multiple_of3A_17 = tpu.assume_multiple %add3A_16, 8 : i32
    "tpu.region"() ({
      %run_scoped3A = tpu.sem_alloc : memref<!tpu.dma_semaphore, #tpu.memory_space<semaphore_mem>>
      %dma_start3A = arith.constant 0 : i32
      %dma_start3A_20 = tpu.memref_slice %arg7[%multiple_of3A_17, %dma_start3A] : memref<20480x128xf32, #tpu.memory_space<hbm>> -> memref<640x128xf32, #tpu.memory_space<hbm>>
      %dma_start3A_21 = arith.constant 0 : i32
      %dma_start3A_22 = tpu.memref_slice %arg12[%multiple_of3A, %dma_start3A_21] : memref<10240x128xf32, #tpu.memory_space<vmem_shared>> -> memref<640x128xf32, #tpu.memory_space<vmem_shared>>
      tpu.enqueue_dma source(%dma_start3A_22 : memref<640x128xf32, #tpu.memory_space<vmem_shared>>) target(%dma_start3A_20 : memref<640x128xf32, #tpu.memory_space<hbm>>) target_semaphore(%run_scoped3A : memref<!tpu.dma_semaphore, #tpu.memory_space<semaphore_mem>>)
      %dma_wait3A = arith.constant 0 : i32
      %dma_wait3A_23 = tpu.memref_slice %arg7[%multiple_of3A_17, %dma_wait3A] : memref<20480x128xf32, #tpu.memory_space<hbm>> -> memref<640x128xf32, #tpu.memory_space<hbm>>
      %dma_wait3A_24 = arith.constant 0 : i32
      %dma_wait3A_25 = tpu.memref_slice %arg12[%multiple_of3A, %dma_wait3A_24] : memref<10240x128xf32, #tpu.memory_space<vmem_shared>> -> memref<640x128xf32, #tpu.memory_space<vmem_shared>>
      tpu.wait_dma2 semaphore(%run_scoped3A : memref<!tpu.dma_semaphore, #tpu.memory_space<semaphore_mem>>) src(%dma_wait3A_25 : memref<640x128xf32, #tpu.memory_space<vmem_shared>>) dst(%dma_wait3A_23 : memref<640x128xf32, #tpu.memory_space<hbm>>)
      tpu.yield
    }) : () -> ()
    %mul3A_18 = arith.constant 10240 : i32
    %mul3A_19 = arith.muli %add3A, %mul3A_18 : i32
    "tpu.region"() ({
      %run_scoped3A = tpu.sem_alloc : memref<!tpu.dma_semaphore, #tpu.memory_space<semaphore_mem>>
      %dma_start3A = tpu.memref_slice %arg8[%mul3A_19] : memref<327680xf32, #tpu.memory_space<hbm>> -> memref<10240xf32, #tpu.memory_space<hbm>>
      %dma_start3A_20 = tpu.memref_slice %arg8[%mul3A_19] : memref<327680xf32, #tpu.memory_space<hbm>> -> memref<10240xf32, #tpu.memory_space<hbm>>
      tpu.enqueue_dma source(%arg14 : memref<10240xf32, #tpu.memory_space<vmem>>) target(%dma_start3A_20 : memref<10240xf32, #tpu.memory_space<hbm>>) target_semaphore(%run_scoped3A : memref<!tpu.dma_semaphore, #tpu.memory_space<semaphore_mem>>)
      %dma_wait3A = tpu.memref_slice %arg8[%mul3A_19] : memref<327680xf32, #tpu.memory_space<hbm>> -> memref<10240xf32, #tpu.memory_space<hbm>>
      %dma_wait3A_21 = tpu.memref_slice %arg8[%mul3A_19] : memref<327680xf32, #tpu.memory_space<hbm>> -> memref<10240xf32, #tpu.memory_space<hbm>>
      tpu.wait_dma2 semaphore(%run_scoped3A : memref<!tpu.dma_semaphore, #tpu.memory_space<semaphore_mem>>) src(%arg14 : memref<10240xf32, #tpu.memory_space<vmem>>) dst(%dma_wait3A_21 : memref<10240xf32, #tpu.memory_space<hbm>>)
      tpu.yield
    }) : () -> ()
    return
  }
}

#map = affine_map<(d0, d1) -> (0, 0)>
#map1 = affine_map<(d0, d1) -> (0)>
module attributes {stable_mosaic.version = 14 : i64} {
  func.func @agg_kernel(%arg0: i32, %arg1: i32, %arg2: memref<10240x128xf32, #tpu.memory_space<hbm>>, %arg3: memref<323584xi32, #tpu.memory_space<hbm>>, %arg4: memref<323584xi32, #tpu.memory_space<hbm>>, %arg5: memref<10240x128xf32, #tpu.memory_space<hbm>>, %arg6: memref<10240xf32, #tpu.memory_space<hbm>>, %arg7: memref<20480x128xf32, #tpu.memory_space<hbm>>, %arg8: memref<128xi32, #tpu.memory_space<vmem>>, %arg9: memref<128xi32, #tpu.memory_space<vmem>>, %arg10: memref<128x128xf32, #tpu.memory_space<vmem>>, %arg11: memref<10240x128xf32, #tpu.memory_space<vmem_shared>>, %arg12: memref<!tpu.dma_semaphore, #tpu.memory_space<semaphore_mem>>) attributes {dimension_semantics = [#tpu.dimension_semantics<core_parallel>, #tpu.dimension_semantics<subcore_parallel>], iteration_bounds = array<i64: 2, 16>, scalar_prefetch = 0 : i64, scratch_operands = 5 : i64, tpu.core_type = #tpu.core_type<sc_vector_subcore>, window_params = [{transform_indices = #map}, {transform_indices = #map1}, {transform_indices = #map1}, {transform_indices = #map}, {transform_indices = #map1}, {transform_indices = #map}]} {
    %mul3A = arith.constant 16 : i32
    %mul3A_0 = arith.muli %arg0, %mul3A : i32
    %add3A = arith.addi %mul3A_0, %arg1 : i32
    %mul3A_1 = arith.constant 79 : i32
    %mul3A_2 = arith.muli %add3A, %mul3A_1 : i32
    %mul3A_3 = arith.constant 128 : i32
    %mul3A_4 = arith.muli %mul3A_2, %mul3A_3 : i32
    %mul3A_5 = arith.constant 640 : i32
    %mul3A_6 = arith.muli %arg1, %mul3A_5 : i32
    %multiple_of3A = tpu.assume_multiple %mul3A_6, 8 : i32
    "tpu.region"() ({
      %run_scoped3A = tpu.sem_alloc : memref<!tpu.dma_semaphore, #tpu.memory_space<semaphore_mem>>
      %dma_start3A = arith.constant 0 : i32
      %dma_start3A_18 = tpu.memref_slice %arg11[%multiple_of3A, %dma_start3A] : memref<10240x128xf32, #tpu.memory_space<vmem_shared>> -> memref<640x128xf32, #tpu.memory_space<vmem_shared>>
      %dma_start3A_19 = arith.constant 0 : i32
      %dma_start3A_20 = tpu.memref_slice %arg5[%multiple_of3A, %dma_start3A_19] : memref<10240x128xf32, #tpu.memory_space<hbm>> -> memref<640x128xf32, #tpu.memory_space<hbm>>
      tpu.enqueue_dma source(%dma_start3A_20 : memref<640x128xf32, #tpu.memory_space<hbm>>) target(%dma_start3A_18 : memref<640x128xf32, #tpu.memory_space<vmem_shared>>) target_semaphore(%run_scoped3A : memref<!tpu.dma_semaphore, #tpu.memory_space<semaphore_mem>>)
      %dma_wait3A = arith.constant 0 : i32
      %dma_wait3A_21 = tpu.memref_slice %arg11[%multiple_of3A, %dma_wait3A] : memref<10240x128xf32, #tpu.memory_space<vmem_shared>> -> memref<640x128xf32, #tpu.memory_space<vmem_shared>>
      %dma_wait3A_22 = arith.constant 0 : i32
      %dma_wait3A_23 = tpu.memref_slice %arg5[%multiple_of3A, %dma_wait3A_22] : memref<10240x128xf32, #tpu.memory_space<hbm>> -> memref<640x128xf32, #tpu.memory_space<hbm>>
      tpu.wait_dma2 semaphore(%run_scoped3A : memref<!tpu.dma_semaphore, #tpu.memory_space<semaphore_mem>>) src(%dma_wait3A_23 : memref<640x128xf32, #tpu.memory_space<hbm>>) dst(%dma_wait3A_21 : memref<640x128xf32, #tpu.memory_space<vmem_shared>>)
      tpu.yield
    }) : () -> ()
    %barrier3A = arith.constant 0 : index
    tpu.barrier barrier_id(%barrier3A)
    %scan3A = arith.constant 0 : i32
    %scan3A_7 = arith.constant 79 : i32
    %scan3A_8 = arith.addi %scan3A, %scan3A_7 : i32
    %scan3A_9 = arith.constant 1 : i32
    scf.for %scan3A_18 = %scan3A to %scan3A_8 step %scan3A_9  : i32 {
      %mul3A_19 = arith.constant 1 : i32
      %mul3A_20 = arith.muli %scan3A_18, %mul3A_19 : i32
      %add3A_21 = arith.constant 0 : i32
      %add3A_22 = arith.addi %add3A_21, %mul3A_20 : i32
      %mul3A_23 = arith.constant 128 : i32
      %mul3A_24 = arith.muli %add3A_22, %mul3A_23 : i32
      %add3A_25 = arith.addi %mul3A_4, %mul3A_24 : i32
      "tpu.region"() ({
        %run_scoped3A = tpu.sem_alloc : memref<!tpu.dma_semaphore, #tpu.memory_space<semaphore_mem>>
        %dma_start3A_30 = tpu.memref_slice %arg3[%add3A_25] : memref<323584xi32, #tpu.memory_space<hbm>> -> memref<128xi32, #tpu.memory_space<hbm>>
        %dma_start3A_31 = tpu.memref_slice %arg3[%add3A_25] : memref<323584xi32, #tpu.memory_space<hbm>> -> memref<128xi32, #tpu.memory_space<hbm>>
        tpu.enqueue_dma source(%dma_start3A_31 : memref<128xi32, #tpu.memory_space<hbm>>) target(%arg8 : memref<128xi32, #tpu.memory_space<vmem>>) target_semaphore(%run_scoped3A : memref<!tpu.dma_semaphore, #tpu.memory_space<semaphore_mem>>)
        %dma_wait3A_32 = tpu.memref_slice %arg3[%add3A_25] : memref<323584xi32, #tpu.memory_space<hbm>> -> memref<128xi32, #tpu.memory_space<hbm>>
        %dma_wait3A_33 = tpu.memref_slice %arg3[%add3A_25] : memref<323584xi32, #tpu.memory_space<hbm>> -> memref<128xi32, #tpu.memory_space<hbm>>
        tpu.wait_dma2 semaphore(%run_scoped3A : memref<!tpu.dma_semaphore, #tpu.memory_space<semaphore_mem>>) src(%dma_wait3A_33 : memref<128xi32, #tpu.memory_space<hbm>>) dst(%arg8 : memref<128xi32, #tpu.memory_space<vmem>>)
        tpu.yield
      }) : () -> ()
      "tpu.region"() ({
        %run_scoped3A = tpu.sem_alloc : memref<!tpu.dma_semaphore, #tpu.memory_space<semaphore_mem>>
        %dma_start3A_30 = tpu.memref_slice %arg4[%add3A_25] : memref<323584xi32, #tpu.memory_space<hbm>> -> memref<128xi32, #tpu.memory_space<hbm>>
        %dma_start3A_31 = tpu.memref_slice %arg4[%add3A_25] : memref<323584xi32, #tpu.memory_space<hbm>> -> memref<128xi32, #tpu.memory_space<hbm>>
        tpu.enqueue_dma source(%dma_start3A_31 : memref<128xi32, #tpu.memory_space<hbm>>) target(%arg9 : memref<128xi32, #tpu.memory_space<vmem>>) target_semaphore(%run_scoped3A : memref<!tpu.dma_semaphore, #tpu.memory_space<semaphore_mem>>)
        %dma_wait3A_32 = tpu.memref_slice %arg4[%add3A_25] : memref<323584xi32, #tpu.memory_space<hbm>> -> memref<128xi32, #tpu.memory_space<hbm>>
        %dma_wait3A_33 = tpu.memref_slice %arg4[%add3A_25] : memref<323584xi32, #tpu.memory_space<hbm>> -> memref<128xi32, #tpu.memory_space<hbm>>
        tpu.wait_dma2 semaphore(%run_scoped3A : memref<!tpu.dma_semaphore, #tpu.memory_space<semaphore_mem>>) src(%dma_wait3A_33 : memref<128xi32, #tpu.memory_space<hbm>>) dst(%arg9 : memref<128xi32, #tpu.memory_space<vmem>>)
        tpu.yield
      }) : () -> ()
      %dma_start3A = arith.constant 0 : i32
      %dma_start3A_26 = arith.constant 0 : i32
      %dma_start3A_27 = tpu.memref_slice %arg2[%dma_start3A, %dma_start3A_26] : memref<10240x128xf32, #tpu.memory_space<hbm>> -> memref<10240x128xf32, #tpu.memory_space<hbm>>
      tpu.enqueue_indirect_dma source(%dma_start3A_27 : memref<10240x128xf32, #tpu.memory_space<hbm>>) target(%arg10 : memref<128x128xf32, #tpu.memory_space<vmem>>) offsets(%arg8 : memref<128xi32, #tpu.memory_space<vmem>>) semaphore(%arg12 : memref<!tpu.dma_semaphore, #tpu.memory_space<semaphore_mem>>)
      %dma_wait3A = arith.constant 0 : i32
      %dma_wait3A_28 = arith.constant 0 : i32
      %dma_wait3A_29 = tpu.memref_slice %arg2[%dma_wait3A, %dma_wait3A_28] : memref<10240x128xf32, #tpu.memory_space<hbm>> -> memref<10240x128xf32, #tpu.memory_space<hbm>>
      tpu.wait_indirect_dma semaphore(%arg12 : memref<!tpu.dma_semaphore, #tpu.memory_space<semaphore_mem>>) src(%dma_wait3A_29 : memref<10240x128xf32, #tpu.memory_space<hbm>>) dst(%arg10 : memref<128x128xf32, #tpu.memory_space<vmem>>)
      "tpu.region"() ({
        %run_scoped3A = tpu.sem_alloc : memref<!tpu.dma_semaphore, #tpu.memory_space<semaphore_mem>>
        %dma_start3A_30 = arith.constant 0 : i32
        %dma_start3A_31 = arith.constant 0 : i32
        %dma_start3A_32 = tpu.memref_slice %arg11[%dma_start3A_30, %dma_start3A_31] : memref<10240x128xf32, #tpu.memory_space<vmem_shared>> -> memref<10240x128xf32, #tpu.memory_space<vmem_shared>>
        tpu.enqueue_indirect_dma source(%arg10 : memref<128x128xf32, #tpu.memory_space<vmem>>) target(%dma_start3A_32 : memref<10240x128xf32, #tpu.memory_space<vmem_shared>>) offsets(%arg9 : memref<128xi32, #tpu.memory_space<vmem>>) semaphore(%run_scoped3A : memref<!tpu.dma_semaphore, #tpu.memory_space<semaphore_mem>>) {add = true}
        %dma_wait3A_33 = arith.constant 0 : i32
        %dma_wait3A_34 = arith.constant 0 : i32
        %dma_wait3A_35 = tpu.memref_slice %arg11[%dma_wait3A_33, %dma_wait3A_34] : memref<10240x128xf32, #tpu.memory_space<vmem_shared>> -> memref<10240x128xf32, #tpu.memory_space<vmem_shared>>
        tpu.wait_indirect_dma semaphore(%run_scoped3A : memref<!tpu.dma_semaphore, #tpu.memory_space<semaphore_mem>>) src(%arg10 : memref<128x128xf32, #tpu.memory_space<vmem>>) dst(%dma_wait3A_35 : memref<10240x128xf32, #tpu.memory_space<vmem_shared>>)
        tpu.yield
      }) : () -> ()
    }
    %scan3A_10 = arith.constant 79 : i32
    %barrier3A_11 = arith.constant 0 : index
    tpu.barrier barrier_id(%barrier3A_11)
    %mul3A_12 = arith.constant 10240 : i32
    %mul3A_13 = arith.muli %arg0, %mul3A_12 : i32
    %mul3A_14 = arith.constant 640 : i32
    %mul3A_15 = arith.muli %arg1, %mul3A_14 : i32
    %add3A_16 = arith.addi %mul3A_13, %mul3A_15 : i32
    %multiple_of3A_17 = tpu.assume_multiple %add3A_16, 8 : i32
    "tpu.region"() ({
      %run_scoped3A = tpu.sem_alloc : memref<!tpu.dma_semaphore, #tpu.memory_space<semaphore_mem>>
      %dma_start3A = arith.constant 0 : i32
      %dma_start3A_18 = tpu.memref_slice %arg7[%multiple_of3A_17, %dma_start3A] : memref<20480x128xf32, #tpu.memory_space<hbm>> -> memref<640x128xf32, #tpu.memory_space<hbm>>
      %dma_start3A_19 = arith.constant 0 : i32
      %dma_start3A_20 = tpu.memref_slice %arg11[%multiple_of3A, %dma_start3A_19] : memref<10240x128xf32, #tpu.memory_space<vmem_shared>> -> memref<640x128xf32, #tpu.memory_space<vmem_shared>>
      tpu.enqueue_dma source(%dma_start3A_20 : memref<640x128xf32, #tpu.memory_space<vmem_shared>>) target(%dma_start3A_18 : memref<640x128xf32, #tpu.memory_space<hbm>>) target_semaphore(%run_scoped3A : memref<!tpu.dma_semaphore, #tpu.memory_space<semaphore_mem>>)
      %dma_wait3A = arith.constant 0 : i32
      %dma_wait3A_21 = tpu.memref_slice %arg7[%multiple_of3A_17, %dma_wait3A] : memref<20480x128xf32, #tpu.memory_space<hbm>> -> memref<640x128xf32, #tpu.memory_space<hbm>>
      %dma_wait3A_22 = arith.constant 0 : i32
      %dma_wait3A_23 = tpu.memref_slice %arg11[%multiple_of3A, %dma_wait3A_22] : memref<10240x128xf32, #tpu.memory_space<vmem_shared>> -> memref<640x128xf32, #tpu.memory_space<vmem_shared>>
      tpu.wait_dma2 semaphore(%run_scoped3A : memref<!tpu.dma_semaphore, #tpu.memory_space<semaphore_mem>>) src(%dma_wait3A_23 : memref<640x128xf32, #tpu.memory_space<vmem_shared>>) dst(%dma_wait3A_21 : memref<640x128xf32, #tpu.memory_space<hbm>>)
      tpu.yield
    }) : () -> ()
    return
  }
}

module attributes {stable_mosaic.version = 14 : i64} {
  func.func @_tc2_body(%arg0: i32, %arg1: memref<2x256x128xf32, #tpu.memory_space<vmem>>, %arg2: memref<32x256xf32, #tpu.memory_space<vmem>>, %arg3: memref<1x64xf32, #tpu.memory_space<vmem>>, %arg4: memref<256x128xf32, #tpu.memory_space<vmem>>, %arg5: memref<256x64xf32, #tpu.memory_space<vmem>>) attributes {dimension_semantics = [#tpu.dimension_semantics<arbitrary>], iteration_bounds = array<i64: 40>, scalar_prefetch = 0 : i64, scratch_operands = 0 : i64, tpu.core_type = #tpu.core_type<tc>, window_params = [{transform_indices = @transform_0, window_bounds = array<i64: 2, 256, 128>}, {transform_indices = @transform_1, window_bounds = array<i64: 32, 256>}, {pipeline_mode = #tpu.pipeline_mode<synchronous>, transform_indices = @transform_2, window_bounds = array<i64: 1, 64>}, {transform_indices = @transform_3, window_bounds = array<i64: 256, 128>}, {transform_indices = @transform_4, window_bounds = array<i64: 256, 64>}]} {
    %get3A = arith.constant 0 : index
    %get3A_0 = arith.constant 0 : index
    %get3A_1 = arith.constant 0 : index
    %get3A_2 = vector.load %arg1[%get3A, %get3A_0, %get3A_1] : memref<2x256x128xf32, #tpu.memory_space<vmem>>, vector<1x256x128xf32>
    %get3A_3 = vector.shape_cast %get3A_2 : vector<1x256x128xf32> to vector<256x128xf32>
    %get3A_4 = arith.constant 1 : index
    %get3A_5 = arith.constant 0 : index
    %get3A_6 = arith.constant 0 : index
    %get3A_7 = vector.load %arg1[%get3A_4, %get3A_5, %get3A_6] : memref<2x256x128xf32, #tpu.memory_space<vmem>>, vector<1x256x128xf32>
    %get3A_8 = vector.shape_cast %get3A_7 : vector<1x256x128xf32> to vector<256x128xf32>
    %add3A = arith.addf %get3A_3, %get3A_8 : vector<256x128xf32>
    %slice3A = vector.extract_strided_slice %add3A {offsets = [0, 0], sizes = [256, 64], strides = [1, 1]} : vector<256x128xf32> to vector<256x64xf32>
    %get3A_9 = arith.constant 0 : index
    %get3A_10 = arith.constant 0 : index
    %get3A_11 = vector.load %arg2[%get3A_9, %get3A_10] : memref<32x256xf32, #tpu.memory_space<vmem>>, vector<32x256xf32>
    %reduce_sum3A = arith.constant dense<0.000000e+00> : vector<256xf32>
    %reduce_sum3A_12 = vector.multi_reduction <add>, %get3A_11, %reduce_sum3A [0] : vector<32x256xf32> to vector<256xf32>
    %max3A = arith.constant 1.000000e+00 : f32
    %max3A_13 = vector.broadcast %max3A : f32 to vector<256xf32>
    %max3A_14 = arith.maximumf %reduce_sum3A_12, %max3A_13 : vector<256xf32>
    %get3A_15 = arith.constant 0 : index
    %get3A_16 = arith.constant 64 : index
    %get3A_17 = vector.load %arg4[%get3A_15, %get3A_16] : memref<256x128xf32, #tpu.memory_space<vmem>>, vector<256x64xf32>
    %broadcast_in_dim3A = vector.shape_cast %max3A_14 : vector<256xf32> to vector<256x1xf32>
    %div3A = vector.broadcast %broadcast_in_dim3A : vector<256x1xf32> to vector<256x64xf32>
    %div3A_18 = arith.divf %slice3A, %div3A : vector<256x64xf32>
    %get3A_19 = arith.constant 0 : index
    %get3A_20 = arith.constant 0 : index
    %get3A_21 = vector.load %arg3[%get3A_19, %get3A_20] : memref<1x64xf32, #tpu.memory_space<vmem>>, vector<1x64xf32>
    %add3A_22 = vector.broadcast %get3A_21 : vector<1x64xf32> to vector<256x64xf32>
    %add3A_23 = arith.addf %div3A_18, %add3A_22 : vector<256x64xf32>
    %add3A_24 = arith.addf %add3A_23, %get3A_17 : vector<256x64xf32>
    %reduce_max3A = arith.constant dense<0xFF800000> : vector<256xf32>
    %reduce_max3A_25 = vector.multi_reduction <maximumf>, %add3A_24, %reduce_max3A [1] : vector<256x64xf32> to vector<256xf32>
    %broadcast_in_dim3A_26 = vector.shape_cast %reduce_max3A_25 : vector<256xf32> to vector<256x1xf32>
    %sub3A = vector.broadcast %broadcast_in_dim3A_26 : vector<256x1xf32> to vector<256x64xf32>
    %sub3A_27 = arith.subf %add3A_24, %sub3A : vector<256x64xf32>
    %exp3A = math.exp %sub3A_27 : vector<256x64xf32>
    %reduce_sum3A_28 = arith.constant dense<0.000000e+00> : vector<256xf32>
    %reduce_sum3A_29 = vector.multi_reduction <add>, %exp3A, %reduce_sum3A_28 [1] : vector<256x64xf32> to vector<256xf32>
    %broadcast_in_dim3A_30 = vector.shape_cast %reduce_sum3A_29 : vector<256xf32> to vector<256x1xf32>
    %sub3A_31 = vector.broadcast %broadcast_in_dim3A_26 : vector<256x1xf32> to vector<256x64xf32>
    %sub3A_32 = arith.subf %add3A_24, %sub3A_31 : vector<256x64xf32>
    %log3A = math.log %broadcast_in_dim3A_30 : vector<256x1xf32>
    %sub3A_33 = vector.broadcast %log3A : vector<256x1xf32> to vector<256x64xf32>
    %sub3A_34 = arith.subf %sub3A_32, %sub3A_33 : vector<256x64xf32>
    %swap3A = arith.constant 0 : index
    %swap3A_35 = arith.constant 0 : index
    %swap3A_36 = vector.load %arg5[%swap3A, %swap3A_35] : memref<256x64xf32, #tpu.memory_space<vmem>>, vector<256x64xf32>
    tpu.vector_store %arg5[%swap3A, %swap3A_35], %sub3A_34 {strides = array<i32>} : memref<256x64xf32, #tpu.memory_space<vmem>>, vector<256x64xf32>,
    return
  }
  func.func @transform_0(%arg0: i32) -> (i32, i32, i32) {
    %c0_i32 = arith.constant 0 : i32
    %c0_i32_0 = arith.constant 0 : i32
    %c0_i32_1 = arith.constant 0 : i32
    return %c0_i32, %arg0, %c0_i32_0 : i32, i32, i32
  }
  func.func @transform_1(%arg0: i32) -> (i32, i32) {
    %c0_i32 = arith.constant 0 : i32
    %c0_i32_0 = arith.constant 0 : i32
    return %c0_i32, %arg0 : i32, i32
  }
  func.func @transform_2(%arg0: i32) -> (i32, i32) {
    %c0_i32 = arith.constant 0 : i32
    %c0_i32_0 = arith.constant 0 : i32
    %c0_i32_1 = arith.constant 0 : i32
    return %c0_i32, %c0_i32_0 : i32, i32
  }
  func.func @transform_3(%arg0: i32) -> (i32, i32) {
    %c0_i32 = arith.constant 0 : i32
    %c0_i32_0 = arith.constant 0 : i32
    return %arg0, %c0_i32 : i32, i32
  }
  func.func @transform_4(%arg0: i32) -> (i32, i32) {
    %c0_i32 = arith.constant 0 : i32
    %c0_i32_0 = arith.constant 0 : i32
    return %arg0, %c0_i32 : i32, i32
  }
}

module attributes {stable_mosaic.version = 14 : i64} {
  func.func @_tc1_body(%arg0: i32, %arg1: memref<2x256x128xf32, #tpu.memory_space<vmem>>, %arg2: memref<32x256xf32, #tpu.memory_space<vmem>>, %arg3: memref<256x128xf32, #tpu.memory_space<vmem>>, %arg4: memref<128x256xf32, #tpu.memory_space<vmem>>, %arg5: memref<1x256xf32, #tpu.memory_space<vmem>>, %arg6: memref<128x256xf32, #tpu.memory_space<vmem>>, %arg7: memref<256x128xf32, #tpu.memory_space<vmem>>, %arg8: memref<256x128xf32, #tpu.memory_space<vmem>>) attributes {dimension_semantics = [#tpu.dimension_semantics<arbitrary>], iteration_bounds = array<i64: 40>, scalar_prefetch = 0 : i64, scratch_operands = 0 : i64, tpu.core_type = #tpu.core_type<tc>, window_params = [{transform_indices = @transform_0, window_bounds = array<i64: 2, 256, 128>}, {transform_indices = @transform_1, window_bounds = array<i64: 32, 256>}, {transform_indices = @transform_2, window_bounds = array<i64: 256, 128>}, {pipeline_mode = #tpu.pipeline_mode<synchronous>, transform_indices = @transform_3, window_bounds = array<i64: 128, 256>}, {pipeline_mode = #tpu.pipeline_mode<synchronous>, transform_indices = @transform_4, window_bounds = array<i64: 1, 256>}, {pipeline_mode = #tpu.pipeline_mode<synchronous>, transform_indices = @transform_5, window_bounds = array<i64: 128, 256>}, {pipeline_mode = #tpu.pipeline_mode<synchronous>, transform_indices = @transform_6, window_bounds = array<i64: 256, 128>}, {transform_indices = @transform_7, window_bounds = array<i64: 256, 128>}]} {
    %get3A = arith.constant 0 : index
    %get3A_0 = arith.constant 0 : index
    %get3A_1 = arith.constant 0 : index
    %get3A_2 = vector.load %arg1[%get3A, %get3A_0, %get3A_1] : memref<2x256x128xf32, #tpu.memory_space<vmem>>, vector<1x256x128xf32>
    %get3A_3 = vector.shape_cast %get3A_2 : vector<1x256x128xf32> to vector<256x128xf32>
    %get3A_4 = arith.constant 1 : index
    %get3A_5 = arith.constant 0 : index
    %get3A_6 = arith.constant 0 : index
    %get3A_7 = vector.load %arg1[%get3A_4, %get3A_5, %get3A_6] : memref<2x256x128xf32, #tpu.memory_space<vmem>>, vector<1x256x128xf32>
    %get3A_8 = vector.shape_cast %get3A_7 : vector<1x256x128xf32> to vector<256x128xf32>
    %add3A = arith.addf %get3A_3, %get3A_8 : vector<256x128xf32>
    %get3A_9 = arith.constant 0 : index
    %get3A_10 = arith.constant 0 : index
    %get3A_11 = vector.load %arg2[%get3A_9, %get3A_10] : memref<32x256xf32, #tpu.memory_space<vmem>>, vector<32x256xf32>
    %reduce_sum3A = arith.constant dense<0.000000e+00> : vector<256xf32>
    %reduce_sum3A_12 = vector.multi_reduction <add>, %get3A_11, %reduce_sum3A [0] : vector<32x256xf32> to vector<256xf32>
    %max3A = arith.constant 1.000000e+00 : f32
    %max3A_13 = vector.broadcast %max3A : f32 to vector<256xf32>
    %max3A_14 = arith.maximumf %reduce_sum3A_12, %max3A_13 : vector<256xf32>
    %broadcast_in_dim3A = vector.shape_cast %max3A_14 : vector<256xf32> to vector<256x1xf32>
    %div3A = vector.broadcast %broadcast_in_dim3A : vector<256x1xf32> to vector<256x128xf32>
    %div3A_15 = arith.divf %add3A, %div3A : vector<256x128xf32>
    %get3A_16 = arith.constant 0 : index
    %get3A_17 = arith.constant 0 : index
    %get3A_18 = vector.load %arg4[%get3A_16, %get3A_17] : memref<128x256xf32, #tpu.memory_space<vmem>>, vector<128x256xf32>
    %dot_general3A = arith.constant dense<0.000000e+00> : vector<256x256xf32>
    %dot_general3A_19 = tpu.matmul %div3A_15, %get3A_18, %dot_general3A {dimension_numbers = #tpu.dot_dimension_numbers<[1], [0], [0], [1], [0, 0, 1, 1], [], []>, transpose_lhs_hint = false} : vector<256x128xf32>, vector<128x256xf32>, vector<256x256xf32> -> vector<256x256xf32>
    %get3A_20 = arith.constant 0 : index
    %get3A_21 = arith.constant 0 : index
    %get3A_22 = vector.load %arg5[%get3A_20, %get3A_21] : memref<1x256xf32, #tpu.memory_space<vmem>>, vector<1x256xf32>
    %add3A_23 = vector.broadcast %get3A_22 : vector<1x256xf32> to vector<256x256xf32>
    %add3A_24 = arith.addf %dot_general3A_19, %add3A_23 : vector<256x256xf32>
    %get3A_25 = arith.constant 0 : index
    %get3A_26 = arith.constant 0 : index
    %get3A_27 = vector.load %arg3[%get3A_25, %get3A_26] : memref<256x128xf32, #tpu.memory_space<vmem>>, vector<256x128xf32>
    %get3A_28 = arith.constant 0 : index
    %get3A_29 = arith.constant 0 : index
    %get3A_30 = vector.load %arg6[%get3A_28, %get3A_29] : memref<128x256xf32, #tpu.memory_space<vmem>>, vector<128x256xf32>
    %dot_general3A_31 = arith.constant dense<0.000000e+00> : vector<256x256xf32>
    %dot_general3A_32 = tpu.matmul %get3A_27, %get3A_30, %dot_general3A_31 {dimension_numbers = #tpu.dot_dimension_numbers<[1], [0], [0], [1], [0, 0, 1, 1], [], []>, transpose_lhs_hint = false} : vector<256x128xf32>, vector<128x256xf32>, vector<256x256xf32> -> vector<256x256xf32>
    %add3A_33 = arith.addf %add3A_24, %dot_general3A_32 : vector<256x256xf32>
    %max3A_34 = arith.constant 0.000000e+00 : f32
    %max3A_35 = vector.broadcast %max3A_34 : f32 to vector<256x256xf32>
    %max3A_36 = arith.maximumf %add3A_33, %max3A_35 : vector<256x256xf32>
    %get3A_37 = arith.constant 0 : index
    %get3A_38 = arith.constant 0 : index
    %get3A_39 = vector.load %arg7[%get3A_37, %get3A_38] : memref<256x128xf32, #tpu.memory_space<vmem>>, vector<256x128xf32>
    %dot_general3A_40 = arith.constant dense<0.000000e+00> : vector<256x128xf32>
    %dot_general3A_41 = tpu.matmul %max3A_36, %get3A_39, %dot_general3A_40 {dimension_numbers = #tpu.dot_dimension_numbers<[1], [0], [0], [1], [0, 0, 1, 1], [], []>, transpose_lhs_hint = false} : vector<256x256xf32>, vector<256x128xf32>, vector<256x128xf32> -> vector<256x128xf32>
    %swap3A = arith.constant 0 : index
    %swap3A_42 = arith.constant 0 : index
    %swap3A_43 = vector.load %arg8[%swap3A, %swap3A_42] : memref<256x128xf32, #tpu.memory_space<vmem>>, vector<256x128xf32>
    tpu.vector_store %arg8[%swap3A, %swap3A_42], %dot_general3A_41 {strides = array<i32>} : memref<256x128xf32, #tpu.memory_space<vmem>>, vector<256x128xf32>,
    return
  }
  func.func @transform_0(%arg0: i32) -> (i32, i32, i32) {
    %c0_i32 = arith.constant 0 : i32
    %c0_i32_0 = arith.constant 0 : i32
    %c0_i32_1 = arith.constant 0 : i32
    return %c0_i32, %arg0, %c0_i32_0 : i32, i32, i32
  }
  func.func @transform_1(%arg0: i32) -> (i32, i32) {
    %c0_i32 = arith.constant 0 : i32
    %c0_i32_0 = arith.constant 0 : i32
    return %c0_i32, %arg0 : i32, i32
  }
  func.func @transform_2(%arg0: i32) -> (i32, i32) {
    %c0_i32 = arith.constant 0 : i32
    %c0_i32_0 = arith.constant 0 : i32
    return %arg0, %c0_i32 : i32, i32
  }
  func.func @transform_3(%arg0: i32) -> (i32, i32) {
    %c0_i32 = arith.constant 0 : i32
    %c0_i32_0 = arith.constant 0 : i32
    %c0_i32_1 = arith.constant 0 : i32
    return %c0_i32, %c0_i32_0 : i32, i32
  }
  func.func @transform_4(%arg0: i32) -> (i32, i32) {
    %c0_i32 = arith.constant 0 : i32
    %c0_i32_0 = arith.constant 0 : i32
    %c0_i32_1 = arith.constant 0 : i32
    return %c0_i32, %c0_i32_0 : i32, i32
  }
  func.func @transform_5(%arg0: i32) -> (i32, i32) {
    %c0_i32 = arith.constant 0 : i32
    %c0_i32_0 = arith.constant 0 : i32
    %c0_i32_1 = arith.constant 0 : i32
    return %c0_i32, %c0_i32_0 : i32, i32
  }
  func.func @transform_6(%arg0: i32) -> (i32, i32) {
    %c0_i32 = arith.constant 0 : i32
    %c0_i32_0 = arith.constant 0 : i32
    %c0_i32_1 = arith.constant 0 : i32
    return %c0_i32, %c0_i32_0 : i32, i32
  }
  func.func @transform_7(%arg0: i32) -> (i32, i32) {
    %c0_i32 = arith.constant 0 : i32
    %c0_i32_0 = arith.constant 0 : i32
    return %arg0, %c0_i32 : i32, i32
  }
}

</mosaic_0001>

<sc_bundles>
// kernel: kernel.6.cloned.1.call-start
scs
__scs_entry_jumppad:
0x0: {  	(pc) =	sbr.rel $0x88, $3  }
0x1: {  	(tag) =	ssettag $0x0;
	lr =	simm.s32 $0x1  }
0x2: {  	[smem:$0x3F99] =	sst lr;
	_ =	strace $0xD0000000  }
0x3: {  	_ = 	snop  }
0x4: {  	_ = 	snop  }
0x5: {  	_ = 	snop  }
0x6: {  	_ = 	snop  }
0x7: {  	_ = 	snop  }
__scs_overlays_trampoline_lowered:
0x8: {  	[smem:$0x3FA8] =	sst s0  }
0x9: {  	[smem:$0x3FA9] =	sst s1  }
0xa: {  	[smem:$0x3FAA] =	sst s2  }
0xb: {  	[smem:$0x3FAB] =	sst s3  }
0xc: {  	[smem:$0x3FAC] =	sst s4  }
0xd: {  	[smem:$0x3FAD] =	sst s5  }
0xe: {  	[smem:$0x3FAE] =	sst s6  }
0xf: {  	[smem:$0x3FAF] =	sst s7  }
0x10: {  	[smem:$0x3FB0] =	sst s8  }
0x11: {  	[smem:$0x3FB1] =	sst s9;
	s0 =	simm.s32 @!p0 $0x0  }
0x12: {  	s1 =	sld [smem:$0x3F97];
	s0 =	simm.s32 @p0 $0x1  }
0x13: {  	[smem:$0x3FB2] =	sst s0;
	s0 =	simm.s32 @!p1 $0x0  }
0x14: {  	s2 =	sld [smem:$0x3F96];
	s0 =	simm.s32 @p1 $0x1  }
0x15: {  	[smem:$0x3FB3] =	sst s0;
	s0 =	simm.s32 @!p2 $0x0  }
0x16: {  	s3 =	sld [smem:$0x3FDB];
	s0 =	simm.s32 @p2 $0x1  }
0x17: {  	s4 =	simm.s32 $0x1BF5;
	[smem:$0x3FB5] =	sst s0  }
0x18: {  	s0 =	sld [smem:$0x3F98];
	_ =	swait.ge [sflag:s4], $0x0  }
0x19: {  	s7 =	sld [smem:$0x3F99]  }
0x1a: {  	s8 =	sadd.s32 $0xFFFFE003, lr  }
0x1b: {  	s9 =	sadd.s32 $0xFFFFFEF7, lr;
	s5 =	simm.s32 $0xFFFFFFFF;
	p2 =	slt.u32 s8, $0xFFFFF086  }
0x1c: {  	p1 =	slt.u32 s9, $0xF7A;
	s5 =	simm.s32 @!p2 $0x0  }
0x1d: {  	s5 =	simm.s32 @p1 $0x1;
	p0 =	seq.s32 s7, s2  }
0x1e: {  	s7 =	smul.u32 @!p0 $0xF7A, s2;
	p2 =	seq.s32 @!p0 s5, $0x0  }
0x1f: {  	s9 =	smul.u32 $0xF7A, s1;
	s8 =	simm.s32 @!p0 $0x1BF5;
	p2 =	por !p2, p0  }
0x20: {  	[sflag:s8] =	ssyncset.s32 @!p0 $0xFFFFF086;
	s6 =	sadd.s32 @!p0 s3, s7;
	s7 =	simm.s32 @!p0 $0x108  }
0x21: {  	s3 =	sadd.s32 s3, s9;
	s6 =	sadd.s32 @!p0 $0x88, s6;
	s7 =	simm.s32 @p2 $0x1082  }
0x22: {  	[simem:s7], [sflag:s8] =	dma.local @!p0 [hbm:s6], $0xF7A  }
0x23: {  	s9 =	sor.u32 $0xD0000000, s2;
	s6 =	simm.s32 $0x108;
	_ =	swait.ge @!p0 [sflag:s8], $0x0  }
0x24: {  	s3 =	sadd.s32 $0x88, s3;
	s6 =	simm.s32 @!p1 $0x1082;
	[sflag:s4] =	ssyncset.s32 $0xFFFFF086  }
0x25: {  	[simem:s6], [sflag:s4] =	dma.local [hbm:s3], $0xF7A  }
0x26: {  	[smem:$0x3F99] =	sst s1;
	(tag) =	ssettag s2;
	_ =	strace s9  }
0x27: {  	s1 =	sld [smem:$0x3FA9]  }
0x28: {  	s2 =	sld [smem:$0x3FAA]  }
0x29: {  	s4 =	sld [smem:$0x3FAC]  }
0x2a: {  	p0 =	seq.s32 s5, $0x0;
	s5 =	sld [smem:$0x3FAD]  }
0x2b: {  	s6 =	sld [smem:$0x3FAE]  }
0x2c: {  	s7 =	sld [smem:$0x3FAF]  }
0x2d: {  	s3 =	simm.s32 $0x108;
	s8 =	sld [smem:$0x3FB0]  }
0x2e: {  	s3 =	simm.s32 @!p0 $0x1082;
	s9 =	sld [smem:$0x3FB1]  }
0x2f: {  	lr =	sadd.s32 s0, s3;
	s0 =	sld [smem:$0x3FA8]  }
0x30: {  	s3 =	sld [smem:$0x3FAB]  }
0x31: {  	[smem:$0x3FB4] =	sst s10  }
0x32: {  	s10 =	sld [smem:$0x3FB2];
	_ =	sdelay $0x3  }
0x33: {  	p0 =	seq.s32 s10, $0x1;
	s10 =	sld [smem:$0x3FB4];
	_ =	sdelay $0x3  }
0x34: {  	[smem:$0x3FB4] =	sst s10  }
0x35: {  	s10 =	sld [smem:$0x3FB3];
	_ =	sdelay $0x3  }
0x36: {  	p1 =	seq.s32 s10, $0x1;
	s10 =	sld [smem:$0x3FB4];
	_ =	sdelay $0x3  }
0x37: {  	[smem:$0x3FB4] =	sst s10  }
0x38: {  	s10 =	sld [smem:$0x3FB5]  }
0x39: {  	_ = 	snop;
	(pc) =	sbr.ind lr, $3  }
0x3a: {  	_ = 	snop  }
0x3b: {  	_ = 	snop  }
0x3c: {  	p2 =	seq.s32 s10, $0x1;
	s10 =	sld [smem:$0x3FB4]  }
0x3d: {  	_ =	shalt  }
0x3e: {  	_ =	shalt  }
0x3f: {  	_ =	shalt  }
0x40: {  	_ =	shalt  }
0x41: {  	_ =	shalt  }
0x42: {  	_ =	shalt  }
0x43: {  	_ =	shalt  }
0x44: {  	_ =	shalt  }
0x45: {  	_ =	shalt  }
0x46: {  	_ =	shalt  }
0x47: {  	_ =	shalt  }
0x48: {  	_ =	shalt  }
0x49: {  	_ =	shalt  }
0x4a: {  	_ =	shalt  }
0x4b: {  	_ =	shalt  }
0x4c: {  	_ =	shalt  }
0x4d: {  	_ =	shalt  }
0x4e: {  	_ =	shalt  }
0x4f: {  	_ =	shalt  }
0x50: {  	_ =	shalt  }
0x51: {  	_ =	shalt  }
0x52: {  	_ =	shalt  }
0x53: {  	_ =	shalt  }
0x54: {  	_ =	shalt  }
0x55: {  	_ =	shalt  }
0x56: {  	_ =	shalt  }
0x57: {  	_ =	shalt  }
0x58: {  	_ =	shalt  }
0x59: {  	_ =	shalt  }
0x5a: {  	_ =	shalt  }
0x5b: {  	_ =	shalt  }
0x5c: {  	_ =	shalt  }
0x5d: {  	_ =	shalt  }
0x5e: {  	_ =	shalt  }
0x5f: {  	_ =	shalt  }
0x60: {  	_ =	shalt  }
0x61: {  	_ =	shalt  }
0x62: {  	_ =	shalt  }
0x63: {  	_ =	shalt  }
0x64: {  	_ =	shalt  }
0x65: {  	_ =	shalt  }
0x66: {  	_ =	shalt  }
0x67: {  	_ =	shalt  }
0x68: {  	_ =	shalt  }
0x69: {  	_ =	shalt  }
0x6a: {  	_ =	shalt  }
0x6b: {  	_ =	shalt  }
0x6c: {  	_ =	shalt  }
0x6d: {  	_ =	shalt  }
0x6e: {  	_ =	shalt  }
0x6f: {  	_ =	shalt  }
0x70: {  	_ =	shalt  }
0x71: {  	_ =	shalt  }
0x72: {  	_ =	shalt  }
0x73: {  	_ =	shalt  }
0x74: {  	_ =	shalt  }
0x75: {  	_ =	shalt  }
0x76: {  	_ =	shalt  }
0x77: {  	_ =	shalt  }
0x78: {  	_ =	shalt  }
0x79: {  	_ =	shalt  }
0x7a: {  	_ =	shalt  }
0x7b: {  	_ =	shalt  }
0x7c: {  	_ =	shalt  }
0x7d: {  	_ =	shalt  }
0x7e: {  	_ =	shalt  }
0x7f: {  	_ =	shalt  }
0x80: {  	_ =	shalt  }
0x81: {  	_ =	shalt  }
0x82: {  	_ =	shalt  }
0x83: {  	_ =	shalt  }
0x84: {  	_ =	shalt  }
0x85: {  	_ =	shalt  }
0x86: {  	_ =	shalt  }
0x87: {  	_ =	shalt  }
.Lfunc_end0:
.L_simem_size_0:
called_computation_lowered:
.L_overlay_start_0:
0x88: {  	s2 =	sld [smem:$0x3FD9]  }
0x89: {  	s3 =	sld [smem:$0x3FFE];
	_ =	sdelay $0x1  }
0x8a: {  	s1 =	srdreg.scid  }
0x8b: {  	s0 =	sand.u32 $0x1, s1  }
0x8c: {  	s17 =	sshll.u32 s0, $0xA;
	s2 =	sadd.s32 s3, s2  }
0x8d: {  	s2 =	sadd.s32 s2, s17  }
0x8e: {  	[smem:$0x3FC0] =	sst s2  }
0x8f: {  	_ = 	snop  }
0x90: {  	s2 =	sld [smem:$0x3FD0];
	(tm) =	ssettm $0x1  }
0x91: {  	s18 =	sld [smem:$0x3FFB];
	_ =	sdelay $0x3  }
0x92: {  	_ =	strace s18  }
0x93: {  	s3 =	sld [smem:$0x3FFC];
	_ =	sdelay $0x3  }
0x94: {  	_ =	strace s3  }
0x95: {  	s3 =	sld [smem:$0x3FFD];
	_ =	sdelay $0x3  }
0x96: {  	_ =	strace s3  }
0x97: {  	_ =	strace $0x8FFFFFFF  }
0x98: {  	s19 =	sld [smem:$0x3FDB];
	_ =	sdelay $0x1  }
0x99: {  	s4 =	simm.s32 $_scs_section_size  }
0x9a: {  	s5 =	simm.s32 $_size__tile_overlayer_lowered;
	s6 =	simm.s32 $_tile_overlayer_lowered  }
0x9b: {  	s22 =	simm.s32 $0x1BFF;
	s21 =	sshll.u32 s6, $0x1;
	s3 =	sadd.s32 s4, s19  }
0x9c: {  	s7 =	simm.s32 $0x0;
	s20 =	sshll.u32 s5, $0x1;
	s5 =	sadd.s32 s21, s3  }
0x9d: {  	[timem:s7], [sflag:s22] =	dma.local [hbm:s5], s20  }
0x9e: {  	_ =	swait.ge [sflag:s22], s20  }
0x9f: {  	s4 =	ssub.s32 $0x0, s20;
	[sflag:s22] =	ssyncset.done $0x0  }
0xa0: {  	[sflag:s22] =	ssyncadd.s32 s4;
	_ =	sdelay $0x1  }
0xa1: {  	s23 =	simm.s32 $0x1B8B  }
0xa2: {  	_ =	swait.ge [sflag:s23], $0x1  }
0xa3: {  	[sflag:s23] =	ssyncset.done $0x0  }
0xa4: {  	s25 =	simm.s32 $0x1B8E;
	s24 =	sld [smem:$0x3FFE];
	[sflag:s23] =	ssyncadd.s32 $0xFFFFFFFF  }
0xa5: {  	s26 =	simm.s32 $execute0_lowered;
	[smem:$0x3FD2] =	sst s25  }
0xa6: {  	s5 =	sshll.u32 s26, $0x1;
	_ =	strace $0x80000046;
	[dreg:$0x1] =	wrdreg $0xFFFFFFFF  }
0xa7: {  	s28 =	simm.s32 $_size_execute0_lowered;
	s3 =	sadd.s32 s3, s5;
	[dreg:$0x0] =	wrdreg $0x0  }
0xa8: {  	s5 =	sshll.u32 s28, $0x1;
	[dreg:$0x2] =	wrdreg s3  }
0xa9: {  	[dreg:$0x3] =	wrdreg s5  }
0xaa: {  	[dreg:$0x4] =	wrdreg $0xC0  }
0xab: {  	_ =	task [dreg:s7], $0x5FFFF  }
0xac: {  	[dreg:$0x1] =	wrdreg $0xFFFFFFFF  }
0xad: {  	[dreg:$0x0] =	wrdreg $0x60  }
0xae: {  	[dreg:$0x2] =	wrdreg s24  }
0xaf: {  	[dreg:$0x3] =	wrdreg s2  }
0xb0: {  	[dreg:$0x4] =	wrdreg $0x41000  }
0xb1: {  	[dreg:$0x5] =	wrdreg $0x9  }
0xb2: {  	_ =	task.clear_ibuf [dreg:s7], $0x6FFFF;
	_ =	strace $0x90000046  }
0xb3: {  	s29 =	simm.s32 $0x9;
	_ =	strace $0x80000048  }
0xb4: {  	_ =	swait.ge [sflag:s29], $0x1  }
0xb5: {  	[sflag:s29] =	ssyncadd.s32 $0xFFFFFFFF  }
0xb6: {  	_ =	strace $0x90000048  }
0xb7: {  	_ =	sfence  }
0xb8: {  	s30 =	sld [smem:$0x0];
	_ =	sdelay $0x2  }
0xb9: {  	s31 =	sshll.u32 s1, $0xD;
	s1 =	sshrl.u32 s1, $0x2  }
0xba: {  	s3 =	sand.u32 $0x4000, s31;
	s1 =	sadd.s32 s1, s30  }
0xbb: {  	s0 =	sor.u32 s3, s0;
	s1 =	sshll.u32 s1, $0x11  }
0xbc: {  	s0 =	sor.u32 s1, s0  }
0xbd: {  	s0 =	sadd.s32 $0x8F2B, s0  }
0xbe: {  	[sflag:s0] =	ssyncadd.remote.s32 $0x1  }
0xbf: {  	_ =	sfence.sel $0xFFFF  }
0xc0: {  	[dreg:$0x0] =	wrdreg $0xFFFFFFFF;
	(pc) =	sbr.abs _section_cstart, $3  }
0xc1: {  	[dreg:$0x1] =	wrdreg $0xFFFFFFFF  }
0xc2: {  	_ =	task.clear_ibuf [dreg:s7], $0x2FFFF;
	_ =	strace $0x9FFFFFFF  }
0xc3: {  	(tm) =	ssettm $0x7FFFFFFF  }
tec
execute0_lowered:
.L_overlay_start_1:
0x0: {  	(tag) =	ssettag $0x1  }
0x1: {  	s6 =	rddreg [dreg:$0x0]  }
0x2: {  	s9 =	rddreg [dreg:$0x1];
	s0 =	srdreg.scid  }
0x3: {  	s2 =	rddreg [dreg:$0x2];
	s1 =	stileid.u32;
	s3 =	simm.s32 $0x0  }
0x4: {  	s16 =	simm.s32 $0x80;
	s17 =	simm.s32 $0x100;
	s8 =	smul.u32 $0x2800, s1  }
0x5: {  	s18 =	simm.s32 $0x1;
	s19 =	simm.s32 $0x0;
	s13 =	smul.u32 $0x50000, s1  }
0x6: {  	s7 =	sand.u32 $0x1, s0;
	s0 =	rddreg [dreg:$0x3];
	s15 =	smul.u32 $0x4F0, s1  }
0x7: {  	[smem:$0x7FF] =	sst s3;
	s4 =	sadd.s32 $0x15E00, s6;
	s5 =	smul.u32 $0x4F00, s7  }
0x8: {  	s30 =	sshll.u32 s1, $0x6;
	s10 =	smul.u32 $0x28000, s7;
	_ =	strace $0x80000047  }
0x9: {  	s25 =	ssub.s32 $0x2, s7;
	s7 =	sshll.u32 s7, $0x4;
	s12 =	sadd.s32 s8, s6  }
0xa: {  	s26 =	sshrl.u32 s25, $0x1;
	s7 =	sor.u32 s1, s7;
	s28 =	sshrl.u32 s13, $0x2  }
0xb: {  	s11 =	sadd.s32 s5, s6;
	s5 =	sadd.s32 $0x3DE00, s6;
	s8 =	sadd.s32 s8, s10  }
0xc: {  	s10 =	ssub.s32 s25, s26;
	s29 =	smul.u32 $0x500, s7;
	s14 =	sadd.s32 s28, s2  }
0xd: {  	s7 =	sor.u32 $0x1C02, s30;
	s8 =	sadd.s32 s8, s6;
	s6 =	sadd.s32 $0x3E400, s12  }
0xe: {  	s10 =	smax.u32 s10, $0x1;
	s31 =	sadd.s32 s15, s11;
	s13 =	sshrl.u32 s14, $0x3  }
0xf: {  	s14 =	simm.s32 $0x2;
	s15 =	simm.s32 $0x18100;
	s8 =	sadd.s32 $0x66400, s8  }
0x10: {  	s9 =	sadd.s32 s9, s29;
	s11 =	sadd.s32 $0x2200, s31;
	s12 =	sadd.s32 $0xC000, s31  }
.LBB2_1:
0x11: {  	[spmem:s13], [sflag:s7] =	dma.local [hbm:s6], $0x2800  }
0x12: {  	_ =	swait.ge [sflag:s14], $0x2800  }
0x13: {  	[sflag:s14] =	ssyncset.done $0x0  }
0x14: {  	[sflag:s14] =	ssyncadd.s32 $0xFFFFD800  }
0x15: {  	[tilespmem:s15], [sflag:$0x2] =	stream.linear.gather [hbm4b:s5+s3], $0x2800, $0x38;
	[tilespmem:$0x1A900] =	vst v63  }
0x16: {  	_ =	swait.ge [sflag:s14], $0x2800  }
0x17: {  	[sflag:s14] =	ssyncset.done $0x0  }
0x18: {  	[sflag:s14] =	ssyncadd.s32 $0xFFFFD800  }
0x19: {  	s20 =	simm.s32 $0x0;
	[bflag:$0x0] =	sbarrier.arrive $0xFFFF  }
.LBB2_2:
0x1a: {  	s21 =	sadd.s32 s20, s12  }
0x1b: {  	[tilespmem:s3], [sflag:$0x2] =	stream.linear.gather [hbm4b:s21+s3], $0x80, $0x38;
	[tilespmem:$0x1A900] =	vst v63  }
0x1c: {  	_ =	swait.ge [sflag:s14], $0x80  }
0x1d: {  	[sflag:s14] =	ssyncset.done $0x0  }
0x1e: {  	s31 =	sadd.s32 s20, s11;
	[sflag:s14] =	ssyncadd.s32 $0xFFFFFF80  }
0x1f: {  	[tilespmem:s16], [sflag:$0x2] =	stream.linear.gather [hbm4b:s31+s3], $0x80, $0x38;
	[tilespmem:$0x1A900] =	vst v63  }
0x20: {  	_ =	swait.ge [sflag:s14], $0x80  }
0x21: {  	[sflag:s14] =	ssyncset.done $0x0  }
0x22: {  	[sflag:s14] =	ssyncadd.s32 $0xFFFFFF80  }
0x23: {  	[tilespmem:s17], [sflag:$0x1] =	stream.indirect.gather [hbm4b:s4+s16], $0x80, s3, s16, $0xb8;
	[tilespmem:$0x1A900] =	vst v63  }
0x24: {  	_ =	swait.ge [sflag:s18], $0x4000  }
0x25: {  	[sflag:s18] =	ssyncset.done $0x0  }
0x26: {  	[sflag:s18] =	ssyncadd.s32 $0xFFFFC000  }
0x27: {  	[spmem:s2] =	stream.indirect.scatter.add.f32 [tilespmem:s17], [sflag:$0x2], $0x80, s16, s16, $0xb8;
	[tilespmem:$0x1A900] =	vst v63  }
0x28: {  	_ =	swait.ge [sflag:s14], $0x4000  }
0x29: {  	[sflag:s14] =	ssyncset.done $0x0  }
0x2a: {  	[sflag:s14] =	ssyncadd.s32 $0xFFFFC000  }
0x2b: {  	v0 =	vld [tilespmem:$0x80];
	_ =	sdelay $0x4  }
0x2c: {  	(xrf1) =	vunique.msk.u32 $0xffff, v0;
	_ =	sdelay $0xd  }
0x2d: {  	_, v1, vm0 =	vpop (xrf1);
	_ =	sdelay $0x3  }
0x2e: {  	v1 =	vcvt.s32.f32 v1;
	_ =	sdelay $0x1  }
0x2f: {  	[tilespmem:v0+s15+$0x0] =	vst.idx.add.f32.msk vm0, v1  }
0x30: {  	v0 =	vld [tilespmem:$0x90];
	_ =	sdelay $0x4  }
0x31: {  	(xrf1) =	vunique.msk.u32 $0xffff, v0;
	_ =	sdelay $0xd  }
0x32: {  	_, v1, vm0 =	vpop (xrf1);
	_ =	sdelay $0x3  }
0x33: {  	v1 =	vcvt.s32.f32 v1;
	_ =	sdelay $0x1  }
0x34: {  	[tilespmem:v0+s15+$0x0] =	vst.idx.add.f32.msk vm0, v1  }
0x35: {  	v0 =	vld [tilespmem:$0xA0];
	_ =	sdelay $0x4  }
0x36: {  	(xrf1) =	vunique.msk.u32 $0xffff, v0;
	_ =	sdelay $0xd  }
0x37: {  	_, v1, vm0 =	vpop (xrf1);
	_ =	sdelay $0x3  }
0x38: {  	v1 =	vcvt.s32.f32 v1;
	_ =	sdelay $0x1  }
0x39: {  	[tilespmem:v0+s15+$0x0] =	vst.idx.add.f32.msk vm0, v1  }
0x3a: {  	v0 =	vld [tilespmem:$0xB0];
	_ =	sdelay $0x4  }
0x3b: {  	(xrf1) =	vunique.msk.u32 $0xffff, v0;
	_ =	sdelay $0xd  }
0x3c: {  	_, v1, vm0 =	vpop (xrf1);
	_ =	sdelay $0x3  }
0x3d: {  	v1 =	vcvt.s32.f32 v1;
	_ =	sdelay $0x1  }
0x3e: {  	[tilespmem:v0+s15+$0x0] =	vst.idx.add.f32.msk vm0, v1  }
0x3f: {  	v0 =	vld [tilespmem:$0xC0];
	_ =	sdelay $0x4  }
0x40: {  	(xrf1) =	vunique.msk.u32 $0xffff, v0;
	_ =	sdelay $0xd  }
0x41: {  	_, v1, vm0 =	vpop (xrf1);
	_ =	sdelay $0x3  }
0x42: {  	v1 =	vcvt.s32.f32 v1;
	_ =	sdelay $0x1  }
0x43: {  	[tilespmem:v0+s15+$0x0] =	vst.idx.add.f32.msk vm0, v1  }
0x44: {  	v0 =	vld [tilespmem:$0xD0];
	_ =	sdelay $0x4  }
0x45: {  	(xrf1) =	vunique.msk.u32 $0xffff, v0;
	_ =	sdelay $0xd  }
0x46: {  	_, v1, vm0 =	vpop (xrf1);
	_ =	sdelay $0x3  }
0x47: {  	v1 =	vcvt.s32.f32 v1;
	_ =	sdelay $0x1  }
0x48: {  	[tilespmem:v0+s15+$0x0] =	vst.idx.add.f32.msk vm0, v1  }
0x49: {  	v0 =	vld [tilespmem:$0xE0];
	_ =	sdelay $0x4  }
0x4a: {  	(xrf1) =	vunique.msk.u32 $0xffff, v0;
	_ =	sdelay $0xd  }
0x4b: {  	_, v1, vm0 =	vpop (xrf1);
	_ =	sdelay $0x3  }
0x4c: {  	v1 =	vcvt.s32.f32 v1;
	_ =	sdelay $0x1  }
0x4d: {  	[tilespmem:v0+s15+$0x0] =	vst.idx.add.f32.msk vm0, v1  }
0x4e: {  	v0 =	vld [tilespmem:$0xF0];
	_ =	sdelay $0x4  }
0x4f: {  	(xrf1) =	vunique.msk.u32 $0xffff, v0;
	_ =	sdelay $0xd  }
0x50: {  	_, v1, vm0 =	vpop (xrf1)  }
0x51: {  	p0 =	sne.s32 s20, $0x4E0  }
.Ltmp0:
0x52: {  	_ = 	snop;
	(pc) =	sbr.rel @p0 .LBB2_2-.Ltmp0, $3  }
0x53: {  	_ = 	snop  }
0x54: {  	v1 =	vcvt.s32.f32 v1;
	_ =	sdelay $0x1  }
0x55: {  	s20 =	sadd.s32 $0x10, s20;
	[tilespmem:v0+s15+$0x0] =	vst.idx.add.f32.msk vm0, v1  }
0x56: {  	[bflag:$0x0] =	sbarrier.arrive $0xFFFF  }
0x57: {  	[hbm:s8], [sflag:s7] =	dma.local [spmem:s13], $0x2800  }
0x58: {  	s19 =	sadd.s32 $0x1, s19;
	_ =	swait.ge [sflag:s14], $0x2800  }
0x59: {  	p0 =	sne.s32 s19, s10;
	[sflag:s14] =	ssyncset.done $0x0  }
.Ltmp1:
0x5a: {  	[sflag:s14] =	ssyncadd.s32 $0xFFFFD800;
	(pc) =	sbr.rel @p0 .LBB2_1-.Ltmp1, $4  }
0x5b: {  	[hbm4b:s9+s3] =	stream.linear.scatter [tilespmem:s15], [sflag:$0x2], $0x2800, $0x38;
	[tilespmem:$0x1A900] =	vst v63  }
0x5c: {  	_ =	swait.ge [sflag:s14], $0x2800  }
0x5d: {  	[sflag:s14] =	ssyncset.done $0x0  }
0x5e: {  	[sflag:s14] =	ssyncadd.s32 $0xFFFFD800  }
0x5f: {  	_ =	sfence.sel $0x180000  }
0x60: {  	[bflag:$0x0] =	sbarrier.arrive $0xFFFF  }
0x61: {  	p0 =	sne.s32 s1, $0x0;
	_ =	strace $0x90000047  }
0x62: {  	s0 =	sadd.s32 @!p0 $0x100000, s0;
	[bflag:$0x2] =	sbarrier.arrive $0xFFFF  }
0x63: {  	[sflag:s0] =	ssyncadd.tile.s32 @!p0 $0x1;
	_ =	shalt  }
.Lfunc_end2:
_tile_overlayer_lowered:
.L_overlay_start_2:
0x64: {  	(tag) =	ssettag $0x2  }
0x65: {  	s0 =	rddreg [dreg:$0x0];
	s2 =	stileid.u32  }
0x66: {  	s1 =	rddreg [dreg:$0x1];
	p0 =	sne.s32 s2, $0x0  }
0x67: {  	s3 =	rddreg [dreg:$0x2];
	[bflag:$0x3] =	sbarrier.arrive $0xFFFF;
	s2 =	simm.s32 @!p0 $0x1C02  }
0x68: {  	[timem:s3], [sflag:s2] =	dma.local @!p0 [hbm:s0], s1  }
0x69: {  	s0 =	simm.s32 @!p0 $0x2  }
0x6a: {  	_ =	swait.ge @!p0 [sflag:s0], s1  }
0x6b: {  	s1 =	ssub.s32 @!p0 $0x0, s1;
	[sflag:s0] =	ssyncset.done @!p0 $0x0  }
0x6c: {  	[sflag:s0] =	ssyncadd.s32 @!p0 s1  }
0x6d: {  	[bflag:$0x3] =	sbarrier.arrive $0xFFFF  }
0x6e: {  	_ =	shalt  }

// kernel: kernel.9.cloned.1.call-start
scs
__scs_entry_jumppad:
0x0: {  	(pc) =	sbr.rel $0x88, $3  }
0x1: {  	(tag) =	ssettag $0x0;
	lr =	simm.s32 $0x1  }
0x2: {  	[smem:$0x3F99] =	sst lr;
	_ =	strace $0xD0000000  }
0x3: {  	_ = 	snop  }
0x4: {  	_ = 	snop  }
0x5: {  	_ = 	snop  }
0x6: {  	_ = 	snop  }
0x7: {  	_ = 	snop  }
__scs_overlays_trampoline_lowered:
0x8: {  	[smem:$0x3FA8] =	sst s0  }
0x9: {  	[smem:$0x3FA9] =	sst s1  }
0xa: {  	[smem:$0x3FAA] =	sst s2  }
0xb: {  	[smem:$0x3FAB] =	sst s3  }
0xc: {  	[smem:$0x3FAC] =	sst s4  }
0xd: {  	[smem:$0x3FAD] =	sst s5  }
0xe: {  	[smem:$0x3FAE] =	sst s6  }
0xf: {  	[smem:$0x3FAF] =	sst s7  }
0x10: {  	[smem:$0x3FB0] =	sst s8  }
0x11: {  	[smem:$0x3FB1] =	sst s9;
	s0 =	simm.s32 @!p0 $0x0  }
0x12: {  	s1 =	sld [smem:$0x3F97];
	s0 =	simm.s32 @p0 $0x1  }
0x13: {  	[smem:$0x3FB2] =	sst s0;
	s0 =	simm.s32 @!p1 $0x0  }
0x14: {  	s2 =	sld [smem:$0x3F96];
	s0 =	simm.s32 @p1 $0x1  }
0x15: {  	[smem:$0x3FB3] =	sst s0;
	s0 =	simm.s32 @!p2 $0x0  }
0x16: {  	s3 =	sld [smem:$0x3FDB];
	s0 =	simm.s32 @p2 $0x1  }
0x17: {  	s4 =	simm.s32 $0x1BF5;
	[smem:$0x3FB5] =	sst s0  }
0x18: {  	s0 =	sld [smem:$0x3F98];
	_ =	swait.ge [sflag:s4], $0x0  }
0x19: {  	s7 =	sld [smem:$0x3F99]  }
0x1a: {  	s8 =	sadd.s32 $0xFFFFE003, lr  }
0x1b: {  	s9 =	sadd.s32 $0xFFFFFEF7, lr;
	s5 =	simm.s32 $0xFFFFFFFF;
	p2 =	slt.u32 s8, $0xFFFFF086  }
0x1c: {  	p1 =	slt.u32 s9, $0xF7A;
	s5 =	simm.s32 @!p2 $0x0  }
0x1d: {  	s5 =	simm.s32 @p1 $0x1;
	p0 =	seq.s32 s7, s2  }
0x1e: {  	s7 =	smul.u32 @!p0 $0xF7A, s2;
	p2 =	seq.s32 @!p0 s5, $0x0  }
0x1f: {  	s9 =	smul.u32 $0xF7A, s1;
	s8 =	simm.s32 @!p0 $0x1BF5;
	p2 =	por !p2, p0  }
0x20: {  	[sflag:s8] =	ssyncset.s32 @!p0 $0xFFFFF086;
	s6 =	sadd.s32 @!p0 s3, s7;
	s7 =	simm.s32 @!p0 $0x108  }
0x21: {  	s3 =	sadd.s32 s3, s9;
	s6 =	sadd.s32 @!p0 $0x88, s6;
	s7 =	simm.s32 @p2 $0x1082  }
0x22: {  	[simem:s7], [sflag:s8] =	dma.local @!p0 [hbm:s6], $0xF7A  }
0x23: {  	s9 =	sor.u32 $0xD0000000, s2;
	s6 =	simm.s32 $0x108;
	_ =	swait.ge @!p0 [sflag:s8], $0x0  }
0x24: {  	s3 =	sadd.s32 $0x88, s3;
	s6 =	simm.s32 @!p1 $0x1082;
	[sflag:s4] =	ssyncset.s32 $0xFFFFF086  }
0x25: {  	[simem:s6], [sflag:s4] =	dma.local [hbm:s3], $0xF7A  }
0x26: {  	[smem:$0x3F99] =	sst s1;
	(tag) =	ssettag s2;
	_ =	strace s9  }
0x27: {  	s1 =	sld [smem:$0x3FA9]  }
0x28: {  	s2 =	sld [smem:$0x3FAA]  }
0x29: {  	s4 =	sld [smem:$0x3FAC]  }
0x2a: {  	p0 =	seq.s32 s5, $0x0;
	s5 =	sld [smem:$0x3FAD]  }
0x2b: {  	s6 =	sld [smem:$0x3FAE]  }
0x2c: {  	s7 =	sld [smem:$0x3FAF]  }
0x2d: {  	s3 =	simm.s32 $0x108;
	s8 =	sld [smem:$0x3FB0]  }
0x2e: {  	s3 =	simm.s32 @!p0 $0x1082;
	s9 =	sld [smem:$0x3FB1]  }
0x2f: {  	lr =	sadd.s32 s0, s3;
	s0 =	sld [smem:$0x3FA8]  }
0x30: {  	s3 =	sld [smem:$0x3FAB]  }
0x31: {  	[smem:$0x3FB4] =	sst s10  }
0x32: {  	s10 =	sld [smem:$0x3FB2];
	_ =	sdelay $0x3  }
0x33: {  	p0 =	seq.s32 s10, $0x1;
	s10 =	sld [smem:$0x3FB4];
	_ =	sdelay $0x3  }
0x34: {  	[smem:$0x3FB4] =	sst s10  }
0x35: {  	s10 =	sld [smem:$0x3FB3];
	_ =	sdelay $0x3  }
0x36: {  	p1 =	seq.s32 s10, $0x1;
	s10 =	sld [smem:$0x3FB4];
	_ =	sdelay $0x3  }
0x37: {  	[smem:$0x3FB4] =	sst s10  }
0x38: {  	s10 =	sld [smem:$0x3FB5]  }
0x39: {  	_ = 	snop;
	(pc) =	sbr.ind lr, $3  }
0x3a: {  	_ = 	snop  }
0x3b: {  	_ = 	snop  }
0x3c: {  	p2 =	seq.s32 s10, $0x1;
	s10 =	sld [smem:$0x3FB4]  }
0x3d: {  	_ =	shalt  }
0x3e: {  	_ =	shalt  }
0x3f: {  	_ =	shalt  }
0x40: {  	_ =	shalt  }
0x41: {  	_ =	shalt  }
0x42: {  	_ =	shalt  }
0x43: {  	_ =	shalt  }
0x44: {  	_ =	shalt  }
0x45: {  	_ =	shalt  }
0x46: {  	_ =	shalt  }
0x47: {  	_ =	shalt  }
0x48: {  	_ =	shalt  }
0x49: {  	_ =	shalt  }
0x4a: {  	_ =	shalt  }
0x4b: {  	_ =	shalt  }
0x4c: {  	_ =	shalt  }
0x4d: {  	_ =	shalt  }
0x4e: {  	_ =	shalt  }
0x4f: {  	_ =	shalt  }
0x50: {  	_ =	shalt  }
0x51: {  	_ =	shalt  }
0x52: {  	_ =	shalt  }
0x53: {  	_ =	shalt  }
0x54: {  	_ =	shalt  }
0x55: {  	_ =	shalt  }
0x56: {  	_ =	shalt  }
0x57: {  	_ =	shalt  }
0x58: {  	_ =	shalt  }
0x59: {  	_ =	shalt  }
0x5a: {  	_ =	shalt  }
0x5b: {  	_ =	shalt  }
0x5c: {  	_ =	shalt  }
0x5d: {  	_ =	shalt  }
0x5e: {  	_ =	shalt  }
0x5f: {  	_ =	shalt  }
0x60: {  	_ =	shalt  }
0x61: {  	_ =	shalt  }
0x62: {  	_ =	shalt  }
0x63: {  	_ =	shalt  }
0x64: {  	_ =	shalt  }
0x65: {  	_ =	shalt  }
0x66: {  	_ =	shalt  }
0x67: {  	_ =	shalt  }
0x68: {  	_ =	shalt  }
0x69: {  	_ =	shalt  }
0x6a: {  	_ =	shalt  }
0x6b: {  	_ =	shalt  }
0x6c: {  	_ =	shalt  }
0x6d: {  	_ =	shalt  }
0x6e: {  	_ =	shalt  }
0x6f: {  	_ =	shalt  }
0x70: {  	_ =	shalt  }
0x71: {  	_ =	shalt  }
0x72: {  	_ =	shalt  }
0x73: {  	_ =	shalt  }
0x74: {  	_ =	shalt  }
0x75: {  	_ =	shalt  }
0x76: {  	_ =	shalt  }
0x77: {  	_ =	shalt  }
0x78: {  	_ =	shalt  }
0x79: {  	_ =	shalt  }
0x7a: {  	_ =	shalt  }
0x7b: {  	_ =	shalt  }
0x7c: {  	_ =	shalt  }
0x7d: {  	_ =	shalt  }
0x7e: {  	_ =	shalt  }
0x7f: {  	_ =	shalt  }
0x80: {  	_ =	shalt  }
0x81: {  	_ =	shalt  }
0x82: {  	_ =	shalt  }
0x83: {  	_ =	shalt  }
0x84: {  	_ =	shalt  }
0x85: {  	_ =	shalt  }
0x86: {  	_ =	shalt  }
0x87: {  	_ =	shalt  }
.Lfunc_end0:
.L_simem_size_0:
called_computation.1_lowered:
.L_overlay_start_0:
0x88: {  	s2 =	sld [smem:$0x3FD9]  }
0x89: {  	s3 =	sld [smem:$0x3FFE];
	_ =	sdelay $0x1  }
0x8a: {  	s1 =	srdreg.scid  }
0x8b: {  	s0 =	sand.u32 $0x1, s1  }
0x8c: {  	s16 =	sshll.u32 s0, $0xA;
	s2 =	sadd.s32 s3, s2  }
0x8d: {  	s2 =	sadd.s32 s2, s16  }
0x8e: {  	[smem:$0x3FC0] =	sst s2  }
0x8f: {  	_ = 	snop  }
0x90: {  	(tm) =	ssettm $0x1  }
0x91: {  	s17 =	sld [smem:$0x3FFB];
	_ =	sdelay $0x3  }
0x92: {  	_ =	strace s17  }
0x93: {  	s2 =	sld [smem:$0x3FFC];
	_ =	sdelay $0x3  }
0x94: {  	_ =	strace s2  }
0x95: {  	s2 =	sld [smem:$0x3FFD];
	_ =	sdelay $0x3  }
0x96: {  	_ =	strace s2  }
0x97: {  	_ =	strace $0x8FFFFFFF  }
0x98: {  	s18 =	sld [smem:$0x3FDB];
	_ =	sdelay $0x1  }
0x99: {  	s19 =	simm.s32 $_scs_section_size  }
0x9a: {  	s4 =	simm.s32 $_size__tile_overlayer_lowered;
	s5 =	simm.s32 $_tile_overlayer_lowered  }
0x9b: {  	s22 =	simm.s32 $0x1BFF;
	s21 =	sshll.u32 s5, $0x1;
	s2 =	sadd.s32 s19, s18  }
0x9c: {  	s6 =	simm.s32 $0x0;
	s20 =	sshll.u32 s4, $0x1;
	s4 =	sadd.s32 s21, s2  }
0x9d: {  	[timem:s6], [sflag:s22] =	dma.local [hbm:s4], s20  }
0x9e: {  	_ =	swait.ge [sflag:s22], s20  }
0x9f: {  	s3 =	ssub.s32 $0x0, s20;
	[sflag:s22] =	ssyncset.done $0x0  }
0xa0: {  	[sflag:s22] =	ssyncadd.s32 s3;
	_ =	sdelay $0x1  }
0xa1: {  	s23 =	simm.s32 $0x1B8B  }
0xa2: {  	_ =	swait.ge [sflag:s23], $0x1  }
0xa3: {  	[sflag:s23] =	ssyncset.done $0x0  }
0xa4: {  	s25 =	simm.s32 $0x1B8E;
	s24 =	sld [smem:$0x3FFE];
	[sflag:s23] =	ssyncadd.s32 $0xFFFFFFFF  }
0xa5: {  	s26 =	simm.s32 $execute0_lowered;
	[smem:$0x3FD2] =	sst s25  }
0xa6: {  	s4 =	sshll.u32 s26, $0x1;
	_ =	strace $0x80000049;
	[dreg:$0x1] =	wrdreg $0xFFFFFFFF  }
0xa7: {  	s28 =	simm.s32 $_size_execute0_lowered;
	s2 =	sadd.s32 s2, s4;
	[dreg:$0x0] =	wrdreg $0x0  }
0xa8: {  	s4 =	sshll.u32 s28, $0x1;
	[dreg:$0x2] =	wrdreg s2  }
0xa9: {  	[dreg:$0x3] =	wrdreg s4  }
0xaa: {  	[dreg:$0x4] =	wrdreg $0xC0  }
0xab: {  	_ =	task [dreg:s6], $0x5FFFF  }
0xac: {  	[dreg:$0x1] =	wrdreg $0xFFFFFFFF  }
0xad: {  	[dreg:$0x0] =	wrdreg $0x60  }
0xae: {  	[dreg:$0x2] =	wrdreg s24  }
0xaf: {  	[dreg:$0x3] =	wrdreg $0x41000  }
0xb0: {  	[dreg:$0x4] =	wrdreg $0x9  }
0xb1: {  	_ =	task.clear_ibuf [dreg:s6], $0x5FFFF;
	_ =	strace $0x90000049  }
0xb2: {  	s29 =	simm.s32 $0x9;
	_ =	strace $0x8000004B  }
0xb3: {  	_ =	swait.ge [sflag:s29], $0x1  }
0xb4: {  	[sflag:s29] =	ssyncadd.s32 $0xFFFFFFFF  }
0xb5: {  	_ =	strace $0x9000004B  }
0xb6: {  	_ =	sfence  }
0xb7: {  	s30 =	sld [smem:$0x0];
	_ =	sdelay $0x2  }
0xb8: {  	s31 =	sshll.u32 s1, $0xD;
	s1 =	sshrl.u32 s1, $0x2  }
0xb9: {  	s3 =	sand.u32 $0x4000, s31;
	s1 =	sadd.s32 s1, s30  }
0xba: {  	s0 =	sor.u32 s3, s0;
	s1 =	sshll.u32 s1, $0x11  }
0xbb: {  	s0 =	sor.u32 s1, s0  }
0xbc: {  	s0 =	sadd.s32 $0x8F2B, s0  }
0xbd: {  	[sflag:s0] =	ssyncadd.remote.s32 $0x1  }
0xbe: {  	_ =	sfence.sel $0xFFFF  }
0xbf: {  	[dreg:$0x0] =	wrdreg $0xFFFFFFFF;
	(pc) =	sbr.abs _section_cstart, $3  }
0xc0: {  	[dreg:$0x1] =	wrdreg $0xFFFFFFFF  }
0xc1: {  	_ =	task.clear_ibuf [dreg:s6], $0x2FFFF;
	_ =	strace $0x9FFFFFFF  }
0xc2: {  	(tm) =	ssettm $0x7FFFFFFF  }
0xc3: {  	_ =	shalt  }
tec
execute0_lowered:
.L_overlay_start_1:
0x0: {  	(tag) =	ssettag $0x1  }
0x1: {  	s5 =	rddreg [dreg:$0x0];
	s0 =	srdreg.scid  }
0x2: {  	s2 =	rddreg [dreg:$0x1];
	s1 =	stileid.u32;
	s3 =	simm.s32 $0x0  }
0x3: {  	s13 =	simm.s32 $0x80;
	s14 =	simm.s32 $0x100;
	s8 =	smul.u32 $0x2800, s1  }
0x4: {  	s15 =	simm.s32 $0x1;
	s16 =	simm.s32 $0x0;
	s26 =	smul.u32 $0x50000, s1  }
0x5: {  	s6 =	sand.u32 $0x1, s0;
	s0 =	rddreg [dreg:$0x2];
	s30 =	smul.u32 $0x4F0, s1  }
0x6: {  	[smem:$0x7FF] =	sst s3;
	s4 =	sadd.s32 $0x15E00, s5;
	s7 =	smul.u32 $0x4F00, s6  }
0x7: {  	s31 =	sshll.u32 s1, $0x6;
	s9 =	smul.u32 $0x28000, s6;
	s6 =	ssub.s32 $0x2, s6  }
0x8: {  	_ =	strace $0x8000004A;
	s28 =	sshrl.u32 s6, $0x1;
	s29 =	sshrl.u32 s26, $0x2  }
0x9: {  	s10 =	sadd.s32 s7, s5;
	s25 =	sadd.s32 s8, s9;
	s8 =	sadd.s32 s8, s5  }
0xa: {  	s11 =	ssub.s32 s6, s28;
	s12 =	sadd.s32 s29, s2;
	s6 =	sor.u32 $0x1C02, s31  }
0xb: {  	s7 =	sadd.s32 s25, s5;
	s5 =	sadd.s32 $0x3E400, s8;
	s10 =	sadd.s32 s30, s10  }
0xc: {  	s8 =	smax.u32 s11, $0x1;
	s11 =	sshrl.u32 s12, $0x3;
	s12 =	simm.s32 $0x2  }
0xd: {  	s7 =	sadd.s32 $0x66400, s7;
	s9 =	sadd.s32 $0x2200, s10;
	s10 =	sadd.s32 $0xC000, s10  }
.LBB2_1:
0xe: {  	[spmem:s11], [sflag:s6] =	dma.local [hbm:s5], $0x2800  }
0xf: {  	_ =	swait.ge [sflag:s12], $0x2800  }
0x10: {  	[sflag:s12] =	ssyncset.done $0x0  }
0x11: {  	[sflag:s12] =	ssyncadd.s32 $0xFFFFD800  }
0x12: {  	s17 =	sadd.s32 $0x0, s10;
	[bflag:$0x0] =	sbarrier.arrive $0xFFFF  }
0x13: {  	[tilespmem:s3], [sflag:$0x2] =	stream.linear.gather [hbm4b:s17+s3], $0x80, $0x38;
	[tilespmem:$0x18100] =	vst v63  }
0x14: {  	_ =	swait.ge [sflag:s12], $0x80  }
0x15: {  	[sflag:s12] =	ssyncset.done $0x0  }
0x16: {  	s31 =	sadd.s32 $0x0, s9;
	[sflag:s12] =	ssyncadd.s32 $0xFFFFFF80  }
0x17: {  	[tilespmem:s13], [sflag:$0x2] =	stream.linear.gather [hbm4b:s31+s3], $0x80, $0x38;
	[tilespmem:$0x18100] =	vst v63  }
0x18: {  	_ =	swait.ge [sflag:s12], $0x80  }
0x19: {  	[sflag:s12] =	ssyncset.done $0x0  }
0x1a: {  	[sflag:s12] =	ssyncadd.s32 $0xFFFFFF80  }
0x1b: {  	[tilespmem:s14], [sflag:$0x1] =	stream.indirect.gather [hbm4b:s4+s13], $0x80, s3, s13, $0xb8;
	[tilespmem:$0x18100] =	vst v63  }
0x1c: {  	_ =	swait.ge [sflag:s15], $0x4000  }
0x1d: {  	[sflag:s15] =	ssyncset.done $0x0  }
0x1e: {  	[sflag:s15] =	ssyncadd.s32 $0xFFFFC000  }
0x1f: {  	[spmem:s2] =	stream.indirect.scatter.add.f32 [tilespmem:s14], [sflag:$0x2], $0x80, s13, s13, $0xb8;
	[tilespmem:$0x18100] =	vst v63  }
0x20: {  	_ =	swait.ge [sflag:s12], $0x4000  }
0x21: {  	s18 =	simm.s32 $0x20;
	s17 =	simm.s32 $0x10;
	[sflag:s12] =	ssyncset.done $0x0  }
.LBB2_2:
0x22: {  	s19 =	sadd.s32 s17, s10  }
0x23: {  	[sflag:s12] =	ssyncadd.s32 $0xFFFFC000;
	s20 =	smov.u32 s18;
	s21 =	sadd.s32 $0x10, s18  }
0x24: {  	[tilespmem:s3], [sflag:$0x2] =	stream.linear.gather [hbm4b:s19+s3], $0x80, $0x38;
	[tilespmem:$0x18100] =	vst v63  }
0x25: {  	p0 =	sne.s32 s18, $0x4E0;
	_ =	swait.ge [sflag:s12], $0x80  }
0x26: {  	[sflag:s12] =	ssyncset.done $0x0  }
0x27: {  	s18 =	sadd.s32 s17, s9;
	s17 =	smov.u32 s20;
	[sflag:s12] =	ssyncadd.s32 $0xFFFFFF80  }
0x28: {  	[tilespmem:s13], [sflag:$0x2] =	stream.linear.gather [hbm4b:s18+s3], $0x80, $0x38;
	[tilespmem:$0x18100] =	vst v63  }
0x29: {  	_ =	swait.ge [sflag:s12], $0x80  }
0x2a: {  	[sflag:s12] =	ssyncset.done $0x0  }
0x2b: {  	[sflag:s12] =	ssyncadd.s32 $0xFFFFFF80  }
0x2c: {  	[tilespmem:s14], [sflag:$0x1] =	stream.indirect.gather [hbm4b:s4+s13], $0x80, s3, s13, $0xb8;
	[tilespmem:$0x18100] =	vst v63  }
0x2d: {  	_ =	swait.ge [sflag:s15], $0x4000  }
.Ltmp0:
0x2e: {  	[sflag:s15] =	ssyncset.done $0x0;
	(pc) =	sbr.rel @p0 .LBB2_2-.Ltmp0, $4  }
0x2f: {  	[sflag:s15] =	ssyncadd.s32 $0xFFFFC000  }
0x30: {  	[spmem:s2] =	stream.indirect.scatter.add.f32 [tilespmem:s14], [sflag:$0x2], $0x80, s13, s13, $0xb8;
	[tilespmem:$0x18100] =	vst v63  }
0x31: {  	_ =	swait.ge [sflag:s12], $0x4000  }
0x32: {  	s18 =	smov.u32 s21;
	[sflag:s12] =	ssyncset.done $0x0  }
0x33: {  	s18 =	sadd.s32 s17, s10;
	[sflag:s12] =	ssyncadd.s32 $0xFFFFC000  }
0x34: {  	[tilespmem:s3], [sflag:$0x2] =	stream.linear.gather [hbm4b:s18+s3], $0x80, $0x38;
	[tilespmem:$0x18100] =	vst v63  }
0x35: {  	_ =	swait.ge [sflag:s12], $0x80  }
0x36: {  	[sflag:s12] =	ssyncset.done $0x0  }
0x37: {  	s31 =	sadd.s32 s17, s9;
	[sflag:s12] =	ssyncadd.s32 $0xFFFFFF80  }
0x38: {  	[tilespmem:s13], [sflag:$0x2] =	stream.linear.gather [hbm4b:s31+s3], $0x80, $0x38;
	[tilespmem:$0x18100] =	vst v63  }
0x39: {  	_ =	swait.ge [sflag:s12], $0x80  }
0x3a: {  	[sflag:s12] =	ssyncset.done $0x0  }
0x3b: {  	[sflag:s12] =	ssyncadd.s32 $0xFFFFFF80  }
0x3c: {  	[tilespmem:s14], [sflag:$0x1] =	stream.indirect.gather [hbm4b:s4+s13], $0x80, s3, s13, $0xb8;
	[tilespmem:$0x18100] =	vst v63  }
0x3d: {  	_ =	swait.ge [sflag:s15], $0x4000  }
0x3e: {  	[sflag:s15] =	ssyncset.done $0x0  }
0x3f: {  	[sflag:s15] =	ssyncadd.s32 $0xFFFFC000  }
0x40: {  	[spmem:s2] =	stream.indirect.scatter.add.f32 [tilespmem:s14], [sflag:$0x2], $0x80, s13, s13, $0xb8;
	[tilespmem:$0x18100] =	vst v63  }
0x41: {  	_ =	swait.ge [sflag:s12], $0x4000  }
0x42: {  	s16 =	sadd.s32 $0x1, s16;
	[sflag:s12] =	ssyncset.done $0x0  }
0x43: {  	p0 =	sne.s32 s16, s8;
	[sflag:s12] =	ssyncadd.s32 $0xFFFFC000  }
.Ltmp1:
0x44: {  	[bflag:$0x0] =	sbarrier.arrive $0xFFFF;
	(pc) =	sbr.rel @p0 .LBB2_1-.Ltmp1, $4  }
0x45: {  	[hbm:s7], [sflag:s6] =	dma.local [spmem:s11], $0x2800  }
0x46: {  	_ =	swait.ge [sflag:s12], $0x2800  }
0x47: {  	[sflag:s12] =	ssyncset.done $0x0  }
0x48: {  	[sflag:s12] =	ssyncadd.s32 $0xFFFFD800  }
0x49: {  	_ =	sfence.sel $0x180000  }
0x4a: {  	[bflag:$0x0] =	sbarrier.arrive $0xFFFF  }
0x4b: {  	p0 =	sne.s32 s1, $0x0;
	_ =	strace $0x9000004A  }
0x4c: {  	s0 =	sadd.s32 @!p0 $0x100000, s0;
	[bflag:$0x2] =	sbarrier.arrive $0xFFFF  }
0x4d: {  	[sflag:s0] =	ssyncadd.tile.s32 @!p0 $0x1;
	_ =	shalt  }
.Lfunc_end2:
_tile_overlayer_lowered:
.L_overlay_start_2:
0x4e: {  	(tag) =	ssettag $0x2  }
0x4f: {  	s0 =	rddreg [dreg:$0x0];
	s2 =	stileid.u32  }
0x50: {  	s1 =	rddreg [dreg:$0x1];
	p0 =	sne.s32 s2, $0x0  }
0x51: {  	s3 =	rddreg [dreg:$0x2];
	[bflag:$0x3] =	sbarrier.arrive $0xFFFF;
	s2 =	simm.s32 @!p0 $0x1C02  }
0x52: {  	[timem:s3], [sflag:s2] =	dma.local @!p0 [hbm:s0], s1  }
0x53: {  	s0 =	simm.s32 @!p0 $0x2  }
0x54: {  	_ =	swait.ge @!p0 [sflag:s0], s1  }
0x55: {  	s1 =	ssub.s32 @!p0 $0x0, s1;
	[sflag:s0] =	ssyncset.done @!p0 $0x0  }
0x56: {  	[sflag:s0] =	ssyncadd.s32 @!p0 s1  }
0x57: {  	[bflag:$0x3] =	sbarrier.arrive $0xFFFF  }
0x58: {  	_ =	shalt  }

</sc_bundles>
